<compile_context>
chip_gen: v7x
topology: tpu7x:2x2x1
jax: 0.10.2.dev20260603
libtpu: 0.0.44.dev20260713+nightly
codegen_flags: <defaults>
</compile_context>

<pallas_src>
import functools

import jax
import jax.numpy as jnp
from jax import lax
from jax.experimental import pallas as pl
from jax.experimental.pallas import tpu as pltpu
from jax.experimental.pallas import tpu_sc as plsc

N = 10000
D = 128
E = 320000
NC = 2
NS = 16
NW = NC * NS
CHUNK = 128
KD = 80
K0 = 80
K1 = 80
KMX = max(K0, K1)
NCH = NS * (K0 + K1)
E_PAD = NCH * CHUNK
CH_HOST = NCH + (KMX - K1)
ACC_ROWS = 10240
RPT = ACC_ROWS // NS
DUMMY = N
DEG_W = 128

NUM_GRAPHS = 100
FC_IN = 12800
FC_HIDDEN = 256
OUT_DIM = 64

_mesh = plsc.VectorSubcoreMesh(core_axis_name="c", subcore_axis_name="s")


@functools.partial(
    pl.kernel,
    out_type=jax.ShapeDtypeStruct((NC, ACC_ROWS, DEG_W), jnp.float32),
    mesh=_mesh,
    scratch_types=[
        pltpu.VMEM((KD, CHUNK), jnp.int32),
        pltpu.VMEM((CHUNK, DEG_W), jnp.float32),
        pltpu.VMEM_SHARED((ACC_ROWS, DEG_W), jnp.float32),
    ],
)
def _sc_degree(dst_hbm, ones_hbm, zeros_hbm, out_hbm, dst_v, ones_v, acc):
    cid = lax.axis_index("c")
    sid = lax.axis_index("s")
    wid = cid * NS + sid

    pltpu.sync_copy(zeros_hbm, acc.at[pl.ds(sid * RPT, RPT)])
    pltpu.sync_copy(dst_hbm.at[wid], dst_v)
    pltpu.sync_copy(ones_hbm, ones_v)
    plsc.subcore_barrier()

    def body(j, _):
        pltpu.sync_copy(ones_v, acc.at[dst_v.at[j]], add=True)
        return ()

    lax.fori_loop(0, KD, body, (), unroll=False)
    plsc.subcore_barrier()
    pltpu.sync_copy(acc.at[pl.ds(sid * RPT, RPT)],
                    out_hbm.at[cid].at[pl.ds(sid * RPT, RPT)])


@functools.partial(
    pl.kernel,
    out_type=jax.ShapeDtypeStruct((NC, ACC_ROWS, D), jnp.float32),
    mesh=_mesh,
    scratch_types=[
        pltpu.VMEM((KD, CHUNK), jnp.int32),
        pltpu.VMEM((KD, CHUNK), jnp.int32),
        pltpu.VMEM((CHUNK, D), jnp.float32),
        pltpu.VMEM_SHARED((ACC_ROWS, D), jnp.float32),
        pltpu.SemaphoreType.DMA,
    ],
)
def _sc_scatter(y_hbm, src_hbm, dst_hbm, zeros_hbm, out_hbm,
                src_v, dst_v, rows_v, acc, sem):
    cid = lax.axis_index("c")
    sid = lax.axis_index("s")
    wid = cid * NS + sid

    pltpu.sync_copy(zeros_hbm, acc.at[pl.ds(sid * RPT, RPT)])
    pltpu.sync_copy(src_hbm.at[wid], src_v)
    pltpu.sync_copy(dst_hbm.at[wid], dst_v)
    plsc.subcore_barrier()

    def body(j, _):
        pltpu.async_copy(y_hbm.at[src_v.at[j]], rows_v, sem).wait()
        pltpu.sync_copy(rows_v, acc.at[dst_v.at[j]], add=True)
        return ()

    lax.fori_loop(0, KD, body, (), unroll=False)
    plsc.subcore_barrier()
    pltpu.sync_copy(acc.at[pl.ds(sid * RPT, RPT)],
                    out_hbm.at[cid].at[pl.ds(sid * RPT, RPT)])


_R = 1000


def _dis_block(degp):
    deg = degp[0, :, 0] + degp[1, :, 0] + 1.0
    return lax.rsqrt(deg)[:, None]


def _tc_first(x_ref, w1_ref, degp_ref, xw_ref, y_ref):
    dis = _dis_block(degp_ref)
    xw = jnp.dot(x_ref[...], w1_ref[...], preferred_element_type=jnp.float32)
    xw_ref[...] = xw
    y_ref[...] = xw * dis


def _tc_mid(zp_ref, degp_ref, xw1_ref, b1_ref, w2_ref, xw2_ref, y2_ref):
    dis = _dis_block(degp_ref)
    z = zp_ref[0] + zp_ref[1]
    h1 = jnp.maximum(z * dis + xw1_ref[...] * (dis * dis) + b1_ref[...], 0.0)
    xw2 = jnp.dot(h1, w2_ref[...], preferred_element_type=jnp.float32)
    xw2_ref[...] = xw2
    y2_ref[...] = xw2 * dis


def _tc_last(zp_ref, degp_ref, xw2_ref, b2_ref, h2_ref):
    dis = _dis_block(degp_ref)
    z = zp_ref[0] + zp_ref[1]
    h2_ref[...] = jnp.maximum(
        z * dis + xw2_ref[...] * (dis * dis) + b2_ref[...], 0.0)


def _tc_fc(h_ref, w1_ref, b1_ref, w2_ref, b2_ref, o_ref):
    h = jnp.maximum(
        jnp.dot(h_ref[...], w1_ref[...], preferred_element_type=jnp.float32)
        + b1_ref[...], 0.0)
    o_ref[...] = (jnp.dot(h, w2_ref[...], preferred_element_type=jnp.float32)
                  + b2_ref[...])


_rows = pl.BlockSpec((_R, D), lambda i: (i, 0))
_full_w = pl.BlockSpec((D, D), lambda i: (0, 0))
_degs = pl.BlockSpec((NC, _R, DEG_W), lambda i: (0, i, 0))
_parts = pl.BlockSpec((NC, _R, D), lambda i: (0, i, 0))
_bias = pl.BlockSpec((1, D), lambda i: (0, 0))
_f32 = jnp.float32

_first_call = pl.pallas_call(
    _tc_first, grid=(N // _R,),
    in_specs=[_rows, _full_w, _degs],
    out_specs=[_rows, _rows],
    out_shape=[jax.ShapeDtypeStruct((N, D), _f32)] * 2,
)

_mid_call = pl.pallas_call(
    _tc_mid, grid=(N // _R,),
    in_specs=[_parts, _degs, _rows, _bias, _full_w],
    out_specs=[_rows, _rows],
    out_shape=[jax.ShapeDtypeStruct((N, D), _f32)] * 2,
)

_last_call = pl.pallas_call(
    _tc_last, grid=(N // _R,),
    in_specs=[_parts, _degs, _rows, _bias],
    out_specs=_rows,
    out_shape=jax.ShapeDtypeStruct((N, D), _f32),
)

_fc_call = pl.pallas_call(
    _tc_fc,
    out_shape=jax.ShapeDtypeStruct((NUM_GRAPHS, OUT_DIM), _f32),
)


def kernel(x, edge_index, W1, b1, W2, b2, fc1_W, fc1_b, fc2_W, fc2_b):
    src = edge_index[0]
    dst = edge_index[1]
    pad = E_PAD - E
    src_r = jnp.concatenate(
        [src, jnp.zeros((pad,), jnp.int32)]).reshape(NW, KD, CHUNK)
    dst_r = jnp.concatenate(
        [dst, jnp.full((pad,), DUMMY, jnp.int32)]).reshape(NW, KD, CHUNK)
    ones_blk = jnp.ones((CHUNK, DEG_W), jnp.float32)
    zeros_deg = jnp.zeros((RPT, DEG_W), jnp.float32)
    zeros_row = jnp.zeros((RPT, D), jnp.float32)

    degp = _sc_degree(dst_r, ones_blk, zeros_deg)
    xw1, y1 = _first_call(x, W1, degp)
    z1p = _sc_scatter(y1, src_r, dst_r, zeros_row)
    xw2, y2 = _mid_call(z1p, degp, xw1, b1.reshape(1, D), W2)
    z2p = _sc_scatter(y2, src_r, dst_r, zeros_row)
    h2 = _last_call(z2p, degp, xw2, b2.reshape(1, D))
    return _fc_call(h2.reshape(NUM_GRAPHS, FC_IN), fc1_W,
                    fc1_b.reshape(1, FC_HIDDEN), fc2_W,
                    fc2_b.reshape(1, OUT_DIM))

# --- scband reference (transcript-rebuilt; emitter-appended) ---
"""Pipeline reference for scband-encoder-17669495455857 (READ-ONLY COPY).

The authoritative reference and input builder live on the scoring server;
editing this copy changes nothing except your own understanding.
"""

import jax, jax.numpy as jnp
import numpy as np

N_NODES = 10000
N_EDGES = 320000
D_FEAT = 128
HIDDEN = 128
NUM_GRAPHS = 100
NODES_PER_GRAPH = 100  # config['model']['convolution_layers']['dim']
FC_HIDDEN = 256
OUT_DIM = 64


def gcn_conv(x, src, dst, W, b):
    # GCNConv with added self-loops and symmetric normalization (PyG default)
    n = x.shape[0]
    loop = jnp.arange(n, dtype=src.dtype)
    src_a = jnp.concatenate([src, loop])
    dst_a = jnp.concatenate([dst, loop])
    deg = jnp.zeros((n,), dtype=x.dtype).at[dst_a].add(1.0)
    dis = jnp.where(deg > 0, 1.0 / jnp.sqrt(deg), 0.0)
    norm = dis[src_a] * dis[dst_a]
    xw = x @ W
    msg = xw[src_a] * norm[:, None]
    out = jax.ops.segment_sum(msg, dst_a, num_segments=n)
    return out + b


def setup_inputs(seed: int = 0) -> dict:
    key = jax.random.key(seed)
    ks = jax.random.split(key, 10)
    x = jax.random.normal(ks[0], (N_NODES, D_FEAT), dtype=jnp.float32)
    edge_index = jax.random.randint(ks[1], (2, N_EDGES), 0, N_NODES, dtype=jnp.int32)
    W1 = jax.random.normal(ks[2], (D_FEAT, HIDDEN), dtype=jnp.float32) * (1.0 / np.sqrt(D_FEAT))
    b1 = jnp.zeros((HIDDEN,), dtype=jnp.float32)
    W2 = jax.random.normal(ks[3], (HIDDEN, HIDDEN), dtype=jnp.float32) * (1.0 / np.sqrt(HIDDEN))
    b2 = jnp.zeros((HIDDEN,), dtype=jnp.float32)
    fc1_W = jax.random.normal(ks[4], (NODES_PER_GRAPH * HIDDEN, FC_HIDDEN), dtype=jnp.float32) * (1.0 / np.sqrt(NODES_PER_GRAPH * HIDDEN))
    fc1_b = jnp.zeros((FC_HIDDEN,), dtype=jnp.float32)
    fc2_W = jax.random.normal(ks[5], (FC_HIDDEN, OUT_DIM), dtype=jnp.float32) * (1.0 / np.sqrt(FC_HIDDEN))
    fc2_b = jnp.zeros((OUT_DIM,), dtype=jnp.float32)
    return {"x": x, "edge_index": edge_index, "W1": W1, "b1": b1, "W2": W2, "b2": b2,
            "fc1_W": fc1_W, "fc1_b": fc1_b, "fc2_W": fc2_W, "fc2_b": fc2_b}


def reference(x, edge_index, W1, b1, W2, b2, fc1_W, fc1_b, fc2_W, fc2_b):
    src = edge_index[0]
    dst = edge_index[1]
    # conv stack: act + dropout (dropout is identity in eval mode)
    h = jax.nn.relu(gcn_conv(x, src, dst, W1, b1))
    h = jax.nn.relu(gcn_conv(h, src, dst, W2, b2))
    # reshape [num_graphs, dim * hidden_channels]
    h = h.reshape(NUM_GRAPHS, NODES_PER_GRAPH * HIDDEN)
    h = jax.nn.relu(h @ fc1_W + fc1_b)
    out = h @ fc2_W + fc2_b
    return out

if __name__ == "__main__":
    import jax
    _d = setup_inputs()
    print(jax.jit(kernel)(*tuple(_d.values())))

</pallas_src>

<mosaic_0001>
#map = affine_map<(d0, d1) -> (0, 0)>
#map1 = affine_map<(d0, d1) -> (0, 0, 0)>
module attributes {stable_mosaic.version = 14 : i64} {
  func.func @_sc_scatter(%arg0: i32, %arg1: i32, %arg2: memref<10000x128xf32, #tpu.memory_space<hbm>>, %arg3: memref<32x80x128xi32, #tpu.memory_space<hbm>>, %arg4: memref<32x80x128xi32, #tpu.memory_space<hbm>>, %arg5: memref<640x128xf32, #tpu.memory_space<hbm>>, %arg6: memref<2x10240x128xf32, #tpu.memory_space<hbm>>, %arg7: memref<80x128xi32, #tpu.memory_space<vmem>>, %arg8: memref<80x128xi32, #tpu.memory_space<vmem>>, %arg9: memref<128x128xf32, #tpu.memory_space<vmem>>, %arg10: memref<10240x128xf32, #tpu.memory_space<vmem_shared>>, %arg11: memref<!tpu.dma_semaphore, #tpu.memory_space<semaphore_mem>>) attributes {dimension_semantics = [#tpu.dimension_semantics<core_parallel>, #tpu.dimension_semantics<subcore_parallel>], iteration_bounds = array<i64: 2, 16>, scalar_prefetch = 0 : i64, scratch_operands = 5 : i64, tpu.core_type = #tpu.core_type<sc_vector_subcore>, window_params = [{transform_indices = #map}, {transform_indices = #map1}, {transform_indices = #map1}, {transform_indices = #map}, {transform_indices = #map1}]} {
    %mul3A = arith.constant 16 : i32
    %mul3A_0 = arith.muli %arg0, %mul3A : i32
    %add3A = arith.addi %mul3A_0, %arg1 : i32
    %mul3A_1 = arith.constant 640 : i32
    %mul3A_2 = arith.muli %arg1, %mul3A_1 : i32
    "tpu.region"() ({
      %run_scoped3A = tpu.sem_alloc : memref<!tpu.dma_semaphore, #tpu.memory_space<semaphore_mem>>
      %dma_start3A = arith.constant 0 : i32
      %dma_start3A_12 = tpu.memref_slice %arg10[%mul3A_2, %dma_start3A] : memref<10240x128xf32, #tpu.memory_space<vmem_shared>> -> memref<640x128xf32, #tpu.memory_space<vmem_shared>>
      tpu.enqueue_dma source(%arg5 : memref<640x128xf32, #tpu.memory_space<hbm>>) target(%dma_start3A_12 : memref<640x128xf32, #tpu.memory_space<vmem_shared>>) target_semaphore(%run_scoped3A : memref<!tpu.dma_semaphore, #tpu.memory_space<semaphore_mem>>)
      %dma_wait3A = arith.constant 0 : i32
      %dma_wait3A_13 = tpu.memref_slice %arg10[%mul3A_2, %dma_wait3A] : memref<10240x128xf32, #tpu.memory_space<vmem_shared>> -> memref<640x128xf32, #tpu.memory_space<vmem_shared>>
      tpu.wait_dma2 semaphore(%run_scoped3A : memref<!tpu.dma_semaphore, #tpu.memory_space<semaphore_mem>>) src(%arg5 : memref<640x128xf32, #tpu.memory_space<hbm>>) dst(%dma_wait3A_13 : memref<640x128xf32, #tpu.memory_space<vmem_shared>>)
      tpu.yield
    }) : () -> ()
    "tpu.region"() ({
      %run_scoped3A = tpu.sem_alloc : memref<!tpu.dma_semaphore, #tpu.memory_space<semaphore_mem>>
      %dma_start3A = arith.constant 0 : i32
      %dma_start3A_12 = arith.constant 0 : i32
      %dma_start3A_13 = tpu.memref_slice %arg3[%add3A, %dma_start3A, %dma_start3A_12] : memref<32x80x128xi32, #tpu.memory_space<hbm>> -> memref<1x80x128xi32, #tpu.memory_space<hbm>>
      %dma_start3A_14 = tpu.memref_squeeze %dma_start3A_13 : memref<1x80x128xi32, #tpu.memory_space<hbm>> -> memref<80x128xi32, #tpu.memory_space<hbm>>
      %dma_start3A_15 = arith.constant 0 : i32
      %dma_start3A_16 = arith.constant 0 : i32
      %dma_start3A_17 = tpu.memref_slice %arg3[%add3A, %dma_start3A_15, %dma_start3A_16] : memref<32x80x128xi32, #tpu.memory_space<hbm>> -> memref<1x80x128xi32, #tpu.memory_space<hbm>>
      %dma_start3A_18 = tpu.memref_squeeze %dma_start3A_17 : memref<1x80x128xi32, #tpu.memory_space<hbm>> -> memref<80x128xi32, #tpu.memory_space<hbm>>
      tpu.enqueue_dma source(%dma_start3A_18 : memref<80x128xi32, #tpu.memory_space<hbm>>) target(%arg7 : memref<80x128xi32, #tpu.memory_space<vmem>>) target_semaphore(%run_scoped3A : memref<!tpu.dma_semaphore, #tpu.memory_space<semaphore_mem>>)
      %dma_wait3A = arith.constant 0 : i32
      %dma_wait3A_19 = arith.constant 0 : i32
      %dma_wait3A_20 = tpu.memref_slice %arg3[%add3A, %dma_wait3A, %dma_wait3A_19] : memref<32x80x128xi32, #tpu.memory_space<hbm>> -> memref<1x80x128xi32, #tpu.memory_space<hbm>>
      %dma_wait3A_21 = tpu.memref_squeeze %dma_wait3A_20 : memref<1x80x128xi32, #tpu.memory_space<hbm>> -> memref<80x128xi32, #tpu.memory_space<hbm>>
      %dma_wait3A_22 = arith.constant 0 : i32
      %dma_wait3A_23 = arith.constant 0 : i32
      %dma_wait3A_24 = tpu.memref_slice %arg3[%add3A, %dma_wait3A_22, %dma_wait3A_23] : memref<32x80x128xi32, #tpu.memory_space<hbm>> -> memref<1x80x128xi32, #tpu.memory_space<hbm>>
      %dma_wait3A_25 = tpu.memref_squeeze %dma_wait3A_24 : memref<1x80x128xi32, #tpu.memory_space<hbm>> -> memref<80x128xi32, #tpu.memory_space<hbm>>
      tpu.wait_dma2 semaphore(%run_scoped3A : memref<!tpu.dma_semaphore, #tpu.memory_space<semaphore_mem>>) src(%dma_wait3A_25 : memref<80x128xi32, #tpu.memory_space<hbm>>) dst(%arg7 : memref<80x128xi32, #tpu.memory_space<vmem>>)
      tpu.yield
    }) : () -> ()
    "tpu.region"() ({
      %run_scoped3A = tpu.sem_alloc : memref<!tpu.dma_semaphore, #tpu.memory_space<semaphore_mem>>
      %dma_start3A = arith.constant 0 : i32
      %dma_start3A_12 = arith.constant 0 : i32
      %dma_start3A_13 = tpu.memref_slice %arg4[%add3A, %dma_start3A, %dma_start3A_12] : memref<32x80x128xi32, #tpu.memory_space<hbm>> -> memref<1x80x128xi32, #tpu.memory_space<hbm>>
      %dma_start3A_14 = tpu.memref_squeeze %dma_start3A_13 : memref<1x80x128xi32, #tpu.memory_space<hbm>> -> memref<80x128xi32, #tpu.memory_space<hbm>>
      %dma_start3A_15 = arith.constant 0 : i32
      %dma_start3A_16 = arith.constant 0 : i32
      %dma_start3A_17 = tpu.memref_slice %arg4[%add3A, %dma_start3A_15, %dma_start3A_16] : memref<32x80x128xi32, #tpu.memory_space<hbm>> -> memref<1x80x128xi32, #tpu.memory_space<hbm>>
      %dma_start3A_18 = tpu.memref_squeeze %dma_start3A_17 : memref<1x80x128xi32, #tpu.memory_space<hbm>> -> memref<80x128xi32, #tpu.memory_space<hbm>>
      tpu.enqueue_dma source(%dma_start3A_18 : memref<80x128xi32, #tpu.memory_space<hbm>>) target(%arg8 : memref<80x128xi32, #tpu.memory_space<vmem>>) target_semaphore(%run_scoped3A : memref<!tpu.dma_semaphore, #tpu.memory_space<semaphore_mem>>)
      %dma_wait3A = arith.constant 0 : i32
      %dma_wait3A_19 = arith.constant 0 : i32
      %dma_wait3A_20 = tpu.memref_slice %arg4[%add3A, %dma_wait3A, %dma_wait3A_19] : memref<32x80x128xi32, #tpu.memory_space<hbm>> -> memref<1x80x128xi32, #tpu.memory_space<hbm>>
      %dma_wait3A_21 = tpu.memref_squeeze %dma_wait3A_20 : memref<1x80x128xi32, #tpu.memory_space<hbm>> -> memref<80x128xi32, #tpu.memory_space<hbm>>
      %dma_wait3A_22 = arith.constant 0 : i32
      %dma_wait3A_23 = arith.constant 0 : i32
      %dma_wait3A_24 = tpu.memref_slice %arg4[%add3A, %dma_wait3A_22, %dma_wait3A_23] : memref<32x80x128xi32, #tpu.memory_space<hbm>> -> memref<1x80x128xi32, #tpu.memory_space<hbm>>
      %dma_wait3A_25 = tpu.memref_squeeze %dma_wait3A_24 : memref<1x80x128xi32, #tpu.memory_space<hbm>> -> memref<80x128xi32, #tpu.memory_space<hbm>>
      tpu.wait_dma2 semaphore(%run_scoped3A : memref<!tpu.dma_semaphore, #tpu.memory_space<semaphore_mem>>) src(%dma_wait3A_25 : memref<80x128xi32, #tpu.memory_space<hbm>>) dst(%arg8 : memref<80x128xi32, #tpu.memory_space<vmem>>)
      tpu.yield
    }) : () -> ()
    %barrier3A = arith.constant 0 : index
    tpu.barrier barrier_id(%barrier3A)
    %scan3A = arith.constant 0 : i32
    %scan3A_3 = arith.constant 80 : i32
    %scan3A_4 = arith.addi %scan3A, %scan3A_3 : i32
    %scan3A_5 = arith.constant 1 : i32
    scf.for %scan3A_12 = %scan3A to %scan3A_4 step %scan3A_5  : i32 {
      %dma_start3A = arith.constant 0 : i32
      %dma_start3A_13 = tpu.memref_slice %arg7[%scan3A_12, %dma_start3A] : memref<80x128xi32, #tpu.memory_space<vmem>> -> memref<1x128xi32, #tpu.memory_space<vmem>>
      %dma_start3A_14 = tpu.memref_squeeze %dma_start3A_13 : memref<1x128xi32, #tpu.memory_space<vmem>> -> memref<128xi32, #tpu.memory_space<vmem>>
      %dma_start3A_15 = arith.constant 0 : i32
      %dma_start3A_16 = arith.constant 0 : i32
      %dma_start3A_17 = tpu.memref_slice %arg2[%dma_start3A_15, %dma_start3A_16] : memref<10000x128xf32, #tpu.memory_space<hbm>> -> memref<10000x128xf32, #tpu.memory_space<hbm>>
      tpu.enqueue_indirect_dma source(%dma_start3A_17 : memref<10000x128xf32, #tpu.memory_space<hbm>>) target(%arg9 : memref<128x128xf32, #tpu.memory_space<vmem>>) offsets(%dma_start3A_14 : memref<128xi32, #tpu.memory_space<vmem>>) semaphore(%arg11 : memref<!tpu.dma_semaphore, #tpu.memory_space<semaphore_mem>>)
      %dma_wait3A = arith.constant 0 : i32
      %dma_wait3A_18 = tpu.memref_slice %arg7[%scan3A_12, %dma_wait3A] : memref<80x128xi32, #tpu.memory_space<vmem>> -> memref<1x128xi32, #tpu.memory_space<vmem>>
      %dma_wait3A_19 = tpu.memref_squeeze %dma_wait3A_18 : memref<1x128xi32, #tpu.memory_space<vmem>> -> memref<128xi32, #tpu.memory_space<vmem>>
      %dma_wait3A_20 = arith.constant 0 : i32
      %dma_wait3A_21 = arith.constant 0 : i32
      %dma_wait3A_22 = tpu.memref_slice %arg2[%dma_wait3A_20, %dma_wait3A_21] : memref<10000x128xf32, #tpu.memory_space<hbm>> -> memref<10000x128xf32, #tpu.memory_space<hbm>>
      tpu.wait_indirect_dma semaphore(%arg11 : memref<!tpu.dma_semaphore, #tpu.memory_space<semaphore_mem>>) src(%dma_wait3A_22 : memref<10000x128xf32, #tpu.memory_space<hbm>>) dst(%arg9 : memref<128x128xf32, #tpu.memory_space<vmem>>)
      "tpu.region"() ({
        %run_scoped3A = tpu.sem_alloc : memref<!tpu.dma_semaphore, #tpu.memory_space<semaphore_mem>>
        %dma_start3A_23 = arith.constant 0 : i32
        %dma_start3A_24 = tpu.memref_slice %arg8[%scan3A_12, %dma_start3A_23] : memref<80x128xi32, #tpu.memory_space<vmem>> -> memref<1x128xi32, #tpu.memory_space<vmem>>
        %dma_start3A_25 = tpu.memref_squeeze %dma_start3A_24 : memref<1x128xi32, #tpu.memory_space<vmem>> -> memref<128xi32, #tpu.memory_space<vmem>>
        %dma_start3A_26 = arith.constant 0 : i32
        %dma_start3A_27 = arith.constant 0 : i32
        %dma_start3A_28 = tpu.memref_slice %arg10[%dma_start3A_26, %dma_start3A_27] : memref<10240x128xf32, #tpu.memory_space<vmem_shared>> -> memref<10240x128xf32, #tpu.memory_space<vmem_shared>>
        tpu.enqueue_indirect_dma source(%arg9 : memref<128x128xf32, #tpu.memory_space<vmem>>) target(%dma_start3A_28 : memref<10240x128xf32, #tpu.memory_space<vmem_shared>>) offsets(%dma_start3A_25 : memref<128xi32, #tpu.memory_space<vmem>>) semaphore(%run_scoped3A : memref<!tpu.dma_semaphore, #tpu.memory_space<semaphore_mem>>) {add = true}
        %dma_wait3A_29 = arith.constant 0 : i32
        %dma_wait3A_30 = tpu.memref_slice %arg8[%scan3A_12, %dma_wait3A_29] : memref<80x128xi32, #tpu.memory_space<vmem>> -> memref<1x128xi32, #tpu.memory_space<vmem>>
        %dma_wait3A_31 = tpu.memref_squeeze %dma_wait3A_30 : memref<1x128xi32, #tpu.memory_space<vmem>> -> memref<128xi32, #tpu.memory_space<vmem>>
        %dma_wait3A_32 = arith.constant 0 : i32
        %dma_wait3A_33 = arith.constant 0 : i32
        %dma_wait3A_34 = tpu.memref_slice %arg10[%dma_wait3A_32, %dma_wait3A_33] : memref<10240x128xf32, #tpu.memory_space<vmem_shared>> -> memref<10240x128xf32, #tpu.memory_space<vmem_shared>>
        tpu.wait_indirect_dma semaphore(%run_scoped3A : memref<!tpu.dma_semaphore, #tpu.memory_space<semaphore_mem>>) src(%arg9 : memref<128x128xf32, #tpu.memory_space<vmem>>) dst(%dma_wait3A_34 : memref<10240x128xf32, #tpu.memory_space<vmem_shared>>)
        tpu.yield
      }) : () -> ()
    }
    %scan3A_6 = arith.constant 80 : i32
    %barrier3A_7 = arith.constant 0 : index
    tpu.barrier barrier_id(%barrier3A_7)
    %mul3A_8 = arith.constant 640 : i32
    %mul3A_9 = arith.muli %arg1, %mul3A_8 : i32
    %mul3A_10 = arith.constant 640 : i32
    %mul3A_11 = arith.muli %arg1, %mul3A_10 : i32
    "tpu.region"() ({
      %run_scoped3A = tpu.sem_alloc : memref<!tpu.dma_semaphore, #tpu.memory_space<semaphore_mem>>
      %dma_start3A = arith.constant 0 : i32
      %dma_start3A_12 = arith.constant 0 : i32
      %dma_start3A_13 = tpu.memref_slice %arg6[%arg0, %dma_start3A, %dma_start3A_12] : memref<2x10240x128xf32, #tpu.memory_space<hbm>> -> memref<1x10240x128xf32, #tpu.memory_space<hbm>>
      %dma_start3A_14 = tpu.memref_squeeze %dma_start3A_13 : memref<1x10240x128xf32, #tpu.memory_space<hbm>> -> memref<10240x128xf32, #tpu.memory_space<hbm>>
      %dma_start3A_15 = arith.constant 0 : i32
      %dma_start3A_16 = tpu.memref_slice %dma_start3A_14[%mul3A_11, %dma_start3A_15] : memref<10240x128xf32, #tpu.memory_space<hbm>> -> memref<640x128xf32, #tpu.memory_space<hbm>>
      %dma_start3A_17 = arith.constant 0 : i32
      %dma_start3A_18 = tpu.memref_slice %arg10[%mul3A_9, %dma_start3A_17] : memref<10240x128xf32, #tpu.memory_space<vmem_shared>> -> memref<640x128xf32, #tpu.memory_space<vmem_shared>>
      tpu.enqueue_dma source(%dma_start3A_18 : memref<640x128xf32, #tpu.memory_space<vmem_shared>>) target(%dma_start3A_16 : memref<640x128xf32, #tpu.memory_space<hbm>>) target_semaphore(%run_scoped3A : memref<!tpu.dma_semaphore, #tpu.memory_space<semaphore_mem>>)
      %dma_wait3A = arith.constant 0 : i32
      %dma_wait3A_19 = arith.constant 0 : i32
      %dma_wait3A_20 = tpu.memref_slice %arg6[%arg0, %dma_wait3A, %dma_wait3A_19] : memref<2x10240x128xf32, #tpu.memory_space<hbm>> -> memref<1x10240x128xf32, #tpu.memory_space<hbm>>
      %dma_wait3A_21 = tpu.memref_squeeze %dma_wait3A_20 : memref<1x10240x128xf32, #tpu.memory_space<hbm>> -> memref<10240x128xf32, #tpu.memory_space<hbm>>
      %dma_wait3A_22 = arith.constant 0 : i32
      %dma_wait3A_23 = tpu.memref_slice %dma_wait3A_21[%mul3A_11, %dma_wait3A_22] : memref<10240x128xf32, #tpu.memory_space<hbm>> -> memref<640x128xf32, #tpu.memory_space<hbm>>
      %dma_wait3A_24 = arith.constant 0 : i32
      %dma_wait3A_25 = tpu.memref_slice %arg10[%mul3A_9, %dma_wait3A_24] : memref<10240x128xf32, #tpu.memory_space<vmem_shared>> -> memref<640x128xf32, #tpu.memory_space<vmem_shared>>
      tpu.wait_dma2 semaphore(%run_scoped3A : memref<!tpu.dma_semaphore, #tpu.memory_space<semaphore_mem>>) src(%dma_wait3A_25 : memref<640x128xf32, #tpu.memory_space<vmem_shared>>) dst(%dma_wait3A_23 : memref<640x128xf32, #tpu.memory_space<hbm>>)
      tpu.yield
    }) : () -> ()
    return
  }
}

#map = affine_map<(d0, d1) -> (0, 0)>
#map1 = affine_map<(d0, d1) -> (0, 0, 0)>
module attributes {stable_mosaic.version = 14 : i64} {
  func.func @_sc_scatter(%arg0: i32, %arg1: i32, %arg2: memref<10000x128xf32, #tpu.memory_space<hbm>>, %arg3: memref<32x80x128xi32, #tpu.memory_space<hbm>>, %arg4: memref<32x80x128xi32, #tpu.memory_space<hbm>>, %arg5: memref<640x128xf32, #tpu.memory_space<hbm>>, %arg6: memref<2x10240x128xf32, #tpu.memory_space<hbm>>, %arg7: memref<80x128xi32, #tpu.memory_space<vmem>>, %arg8: memref<80x128xi32, #tpu.memory_space<vmem>>, %arg9: memref<128x128xf32, #tpu.memory_space<vmem>>, %arg10: memref<10240x128xf32, #tpu.memory_space<vmem_shared>>, %arg11: memref<!tpu.dma_semaphore, #tpu.memory_space<semaphore_mem>>) attributes {dimension_semantics = [#tpu.dimension_semantics<core_parallel>, #tpu.dimension_semantics<subcore_parallel>], iteration_bounds = array<i64: 2, 16>, scalar_prefetch = 0 : i64, scratch_operands = 5 : i64, tpu.core_type = #tpu.core_type<sc_vector_subcore>, window_params = [{transform_indices = #map}, {transform_indices = #map1}, {transform_indices = #map1}, {transform_indices = #map}, {transform_indices = #map1}]} {
    %mul3A = arith.constant 16 : i32
    %mul3A_0 = arith.muli %arg0, %mul3A : i32
    %add3A = arith.addi %mul3A_0, %arg1 : i32
    %mul3A_1 = arith.constant 640 : i32
    %mul3A_2 = arith.muli %arg1, %mul3A_1 : i32
    "tpu.region"() ({
      %run_scoped3A = tpu.sem_alloc : memref<!tpu.dma_semaphore, #tpu.memory_space<semaphore_mem>>
      %dma_start3A = arith.constant 0 : i32
      %dma_start3A_12 = tpu.memref_slice %arg10[%mul3A_2, %dma_start3A] : memref<10240x128xf32, #tpu.memory_space<vmem_shared>> -> memref<640x128xf32, #tpu.memory_space<vmem_shared>>
      tpu.enqueue_dma source(%arg5 : memref<640x128xf32, #tpu.memory_space<hbm>>) target(%dma_start3A_12 : memref<640x128xf32, #tpu.memory_space<vmem_shared>>) target_semaphore(%run_scoped3A : memref<!tpu.dma_semaphore, #tpu.memory_space<semaphore_mem>>)
      %dma_wait3A = arith.constant 0 : i32
      %dma_wait3A_13 = tpu.memref_slice %arg10[%mul3A_2, %dma_wait3A] : memref<10240x128xf32, #tpu.memory_space<vmem_shared>> -> memref<640x128xf32, #tpu.memory_space<vmem_shared>>
      tpu.wait_dma2 semaphore(%run_scoped3A : memref<!tpu.dma_semaphore, #tpu.memory_space<semaphore_mem>>) src(%arg5 : memref<640x128xf32, #tpu.memory_space<hbm>>) dst(%dma_wait3A_13 : memref<640x128xf32, #tpu.memory_space<vmem_shared>>)
      tpu.yield
    }) : () -> ()
    "tpu.region"() ({
      %run_scoped3A = tpu.sem_alloc : memref<!tpu.dma_semaphore, #tpu.memory_space<semaphore_mem>>
      %dma_start3A = arith.constant 0 : i32
      %dma_start3A_12 = arith.constant 0 : i32
      %dma_start3A_13 = tpu.memref_slice %arg3[%add3A, %dma_start3A, %dma_start3A_12] : memref<32x80x128xi32, #tpu.memory_space<hbm>> -> memref<1x80x128xi32, #tpu.memory_space<hbm>>
      %dma_start3A_14 = tpu.memref_squeeze %dma_start3A_13 : memref<1x80x128xi32, #tpu.memory_space<hbm>> -> memref<80x128xi32, #tpu.memory_space<hbm>>
      %dma_start3A_15 = arith.constant 0 : i32
      %dma_start3A_16 = arith.constant 0 : i32
      %dma_start3A_17 = tpu.memref_slice %arg3[%add3A, %dma_start3A_15, %dma_start3A_16] : memref<32x80x128xi32, #tpu.memory_space<hbm>> -> memref<1x80x128xi32, #tpu.memory_space<hbm>>
      %dma_start3A_18 = tpu.memref_squeeze %dma_start3A_17 : memref<1x80x128xi32, #tpu.memory_space<hbm>> -> memref<80x128xi32, #tpu.memory_space<hbm>>
      tpu.enqueue_dma source(%dma_start3A_18 : memref<80x128xi32, #tpu.memory_space<hbm>>) target(%arg7 : memref<80x128xi32, #tpu.memory_space<vmem>>) target_semaphore(%run_scoped3A : memref<!tpu.dma_semaphore, #tpu.memory_space<semaphore_mem>>)
      %dma_wait3A = arith.constant 0 : i32
      %dma_wait3A_19 = arith.constant 0 : i32
      %dma_wait3A_20 = tpu.memref_slice %arg3[%add3A, %dma_wait3A, %dma_wait3A_19] : memref<32x80x128xi32, #tpu.memory_space<hbm>> -> memref<1x80x128xi32, #tpu.memory_space<hbm>>
      %dma_wait3A_21 = tpu.memref_squeeze %dma_wait3A_20 : memref<1x80x128xi32, #tpu.memory_space<hbm>> -> memref<80x128xi32, #tpu.memory_space<hbm>>
      %dma_wait3A_22 = arith.constant 0 : i32
      %dma_wait3A_23 = arith.constant 0 : i32
      %dma_wait3A_24 = tpu.memref_slice %arg3[%add3A, %dma_wait3A_22, %dma_wait3A_23] : memref<32x80x128xi32, #tpu.memory_space<hbm>> -> memref<1x80x128xi32, #tpu.memory_space<hbm>>
      %dma_wait3A_25 = tpu.memref_squeeze %dma_wait3A_24 : memref<1x80x128xi32, #tpu.memory_space<hbm>> -> memref<80x128xi32, #tpu.memory_space<hbm>>
      tpu.wait_dma2 semaphore(%run_scoped3A : memref<!tpu.dma_semaphore, #tpu.memory_space<semaphore_mem>>) src(%dma_wait3A_25 : memref<80x128xi32, #tpu.memory_space<hbm>>) dst(%arg7 : memref<80x128xi32, #tpu.memory_space<vmem>>)
      tpu.yield
    }) : () -> ()
    "tpu.region"() ({
      %run_scoped3A = tpu.sem_alloc : memref<!tpu.dma_semaphore, #tpu.memory_space<semaphore_mem>>
      %dma_start3A = arith.constant 0 : i32
      %dma_start3A_12 = arith.constant 0 : i32
      %dma_start3A_13 = tpu.memref_slice %arg4[%add3A, %dma_start3A, %dma_start3A_12] : memref<32x80x128xi32, #tpu.memory_space<hbm>> -> memref<1x80x128xi32, #tpu.memory_space<hbm>>
      %dma_start3A_14 = tpu.memref_squeeze %dma_start3A_13 : memref<1x80x128xi32, #tpu.memory_space<hbm>> -> memref<80x128xi32, #tpu.memory_space<hbm>>
      %dma_start3A_15 = arith.constant 0 : i32
      %dma_start3A_16 = arith.constant 0 : i32
      %dma_start3A_17 = tpu.memref_slice %arg4[%add3A, %dma_start3A_15, %dma_start3A_16] : memref<32x80x128xi32, #tpu.memory_space<hbm>> -> memref<1x80x128xi32, #tpu.memory_space<hbm>>
      %dma_start3A_18 = tpu.memref_squeeze %dma_start3A_17 : memref<1x80x128xi32, #tpu.memory_space<hbm>> -> memref<80x128xi32, #tpu.memory_space<hbm>>
      tpu.enqueue_dma source(%dma_start3A_18 : memref<80x128xi32, #tpu.memory_space<hbm>>) target(%arg8 : memref<80x128xi32, #tpu.memory_space<vmem>>) target_semaphore(%run_scoped3A : memref<!tpu.dma_semaphore, #tpu.memory_space<semaphore_mem>>)
      %dma_wait3A = arith.constant 0 : i32
      %dma_wait3A_19 = arith.constant 0 : i32
      %dma_wait3A_20 = tpu.memref_slice %arg4[%add3A, %dma_wait3A, %dma_wait3A_19] : memref<32x80x128xi32, #tpu.memory_space<hbm>> -> memref<1x80x128xi32, #tpu.memory_space<hbm>>
      %dma_wait3A_21 = tpu.memref_squeeze %dma_wait3A_20 : memref<1x80x128xi32, #tpu.memory_space<hbm>> -> memref<80x128xi32, #tpu.memory_space<hbm>>
      %dma_wait3A_22 = arith.constant 0 : i32
      %dma_wait3A_23 = arith.constant 0 : i32
      %dma_wait3A_24 = tpu.memref_slice %arg4[%add3A, %dma_wait3A_22, %dma_wait3A_23] : memref<32x80x128xi32, #tpu.memory_space<hbm>> -> memref<1x80x128xi32, #tpu.memory_space<hbm>>
      %dma_wait3A_25 = tpu.memref_squeeze %dma_wait3A_24 : memref<1x80x128xi32, #tpu.memory_space<hbm>> -> memref<80x128xi32, #tpu.memory_space<hbm>>
      tpu.wait_dma2 semaphore(%run_scoped3A : memref<!tpu.dma_semaphore, #tpu.memory_space<semaphore_mem>>) src(%dma_wait3A_25 : memref<80x128xi32, #tpu.memory_space<hbm>>) dst(%arg8 : memref<80x128xi32, #tpu.memory_space<vmem>>)
      tpu.yield
    }) : () -> ()
    %barrier3A = arith.constant 0 : index
    tpu.barrier barrier_id(%barrier3A)
    %scan3A = arith.constant 0 : i32
    %scan3A_3 = arith.constant 80 : i32
    %scan3A_4 = arith.addi %scan3A, %scan3A_3 : i32
    %scan3A_5 = arith.constant 1 : i32
    scf.for %scan3A_12 = %scan3A to %scan3A_4 step %scan3A_5  : i32 {
      %dma_start3A = arith.constant 0 : i32
      %dma_start3A_13 = tpu.memref_slice %arg7[%scan3A_12, %dma_start3A] : memref<80x128xi32, #tpu.memory_space<vmem>> -> memref<1x128xi32, #tpu.memory_space<vmem>>
      %dma_start3A_14 = tpu.memref_squeeze %dma_start3A_13 : memref<1x128xi32, #tpu.memory_space<vmem>> -> memref<128xi32, #tpu.memory_space<vmem>>
      %dma_start3A_15 = arith.constant 0 : i32
      %dma_start3A_16 = arith.constant 0 : i32
      %dma_start3A_17 = tpu.memref_slice %arg2[%dma_start3A_15, %dma_start3A_16] : memref<10000x128xf32, #tpu.memory_space<hbm>> -> memref<10000x128xf32, #tpu.memory_space<hbm>>
      tpu.enqueue_indirect_dma source(%dma_start3A_17 : memref<10000x128xf32, #tpu.memory_space<hbm>>) target(%arg9 : memref<128x128xf32, #tpu.memory_space<vmem>>) offsets(%dma_start3A_14 : memref<128xi32, #tpu.memory_space<vmem>>) semaphore(%arg11 : memref<!tpu.dma_semaphore, #tpu.memory_space<semaphore_mem>>)
      %dma_wait3A = arith.constant 0 : i32
      %dma_wait3A_18 = tpu.memref_slice %arg7[%scan3A_12, %dma_wait3A] : memref<80x128xi32, #tpu.memory_space<vmem>> -> memref<1x128xi32, #tpu.memory_space<vmem>>
      %dma_wait3A_19 = tpu.memref_squeeze %dma_wait3A_18 : memref<1x128xi32, #tpu.memory_space<vmem>> -> memref<128xi32, #tpu.memory_space<vmem>>
      %dma_wait3A_20 = arith.constant 0 : i32
      %dma_wait3A_21 = arith.constant 0 : i32
      %dma_wait3A_22 = tpu.memref_slice %arg2[%dma_wait3A_20, %dma_wait3A_21] : memref<10000x128xf32, #tpu.memory_space<hbm>> -> memref<10000x128xf32, #tpu.memory_space<hbm>>
      tpu.wait_indirect_dma semaphore(%arg11 : memref<!tpu.dma_semaphore, #tpu.memory_space<semaphore_mem>>) src(%dma_wait3A_22 : memref<10000x128xf32, #tpu.memory_space<hbm>>) dst(%arg9 : memref<128x128xf32, #tpu.memory_space<vmem>>)
      "tpu.region"() ({
        %run_scoped3A = tpu.sem_alloc : memref<!tpu.dma_semaphore, #tpu.memory_space<semaphore_mem>>
        %dma_start3A_23 = arith.constant 0 : i32
        %dma_start3A_24 = tpu.memref_slice %arg8[%scan3A_12, %dma_start3A_23] : memref<80x128xi32, #tpu.memory_space<vmem>> -> memref<1x128xi32, #tpu.memory_space<vmem>>
        %dma_start3A_25 = tpu.memref_squeeze %dma_start3A_24 : memref<1x128xi32, #tpu.memory_space<vmem>> -> memref<128xi32, #tpu.memory_space<vmem>>
        %dma_start3A_26 = arith.constant 0 : i32
        %dma_start3A_27 = arith.constant 0 : i32
        %dma_start3A_28 = tpu.memref_slice %arg10[%dma_start3A_26, %dma_start3A_27] : memref<10240x128xf32, #tpu.memory_space<vmem_shared>> -> memref<10240x128xf32, #tpu.memory_space<vmem_shared>>
        tpu.enqueue_indirect_dma source(%arg9 : memref<128x128xf32, #tpu.memory_space<vmem>>) target(%dma_start3A_28 : memref<10240x128xf32, #tpu.memory_space<vmem_shared>>) offsets(%dma_start3A_25 : memref<128xi32, #tpu.memory_space<vmem>>) semaphore(%run_scoped3A : memref<!tpu.dma_semaphore, #tpu.memory_space<semaphore_mem>>) {add = true}
        %dma_wait3A_29 = arith.constant 0 : i32
        %dma_wait3A_30 = tpu.memref_slice %arg8[%scan3A_12, %dma_wait3A_29] : memref<80x128xi32, #tpu.memory_space<vmem>> -> memref<1x128xi32, #tpu.memory_space<vmem>>
        %dma_wait3A_31 = tpu.memref_squeeze %dma_wait3A_30 : memref<1x128xi32, #tpu.memory_space<vmem>> -> memref<128xi32, #tpu.memory_space<vmem>>
        %dma_wait3A_32 = arith.constant 0 : i32
        %dma_wait3A_33 = arith.constant 0 : i32
        %dma_wait3A_34 = tpu.memref_slice %arg10[%dma_wait3A_32, %dma_wait3A_33] : memref<10240x128xf32, #tpu.memory_space<vmem_shared>> -> memref<10240x128xf32, #tpu.memory_space<vmem_shared>>
        tpu.wait_indirect_dma semaphore(%run_scoped3A : memref<!tpu.dma_semaphore, #tpu.memory_space<semaphore_mem>>) src(%arg9 : memref<128x128xf32, #tpu.memory_space<vmem>>) dst(%dma_wait3A_34 : memref<10240x128xf32, #tpu.memory_space<vmem_shared>>)
        tpu.yield
      }) : () -> ()
    }
    %scan3A_6 = arith.constant 80 : i32
    %barrier3A_7 = arith.constant 0 : index
    tpu.barrier barrier_id(%barrier3A_7)
    %mul3A_8 = arith.constant 640 : i32
    %mul3A_9 = arith.muli %arg1, %mul3A_8 : i32
    %mul3A_10 = arith.constant 640 : i32
    %mul3A_11 = arith.muli %arg1, %mul3A_10 : i32
    "tpu.region"() ({
      %run_scoped3A = tpu.sem_alloc : memref<!tpu.dma_semaphore, #tpu.memory_space<semaphore_mem>>
      %dma_start3A = arith.constant 0 : i32
      %dma_start3A_12 = arith.constant 0 : i32
      %dma_start3A_13 = tpu.memref_slice %arg6[%arg0, %dma_start3A, %dma_start3A_12] : memref<2x10240x128xf32, #tpu.memory_space<hbm>> -> memref<1x10240x128xf32, #tpu.memory_space<hbm>>
      %dma_start3A_14 = tpu.memref_squeeze %dma_start3A_13 : memref<1x10240x128xf32, #tpu.memory_space<hbm>> -> memref<10240x128xf32, #tpu.memory_space<hbm>>
      %dma_start3A_15 = arith.constant 0 : i32
      %dma_start3A_16 = tpu.memref_slice %dma_start3A_14[%mul3A_11, %dma_start3A_15] : memref<10240x128xf32, #tpu.memory_space<hbm>> -> memref<640x128xf32, #tpu.memory_space<hbm>>
      %dma_start3A_17 = arith.constant 0 : i32
      %dma_start3A_18 = tpu.memref_slice %arg10[%mul3A_9, %dma_start3A_17] : memref<10240x128xf32, #tpu.memory_space<vmem_shared>> -> memref<640x128xf32, #tpu.memory_space<vmem_shared>>
      tpu.enqueue_dma source(%dma_start3A_18 : memref<640x128xf32, #tpu.memory_space<vmem_shared>>) target(%dma_start3A_16 : memref<640x128xf32, #tpu.memory_space<hbm>>) target_semaphore(%run_scoped3A : memref<!tpu.dma_semaphore, #tpu.memory_space<semaphore_mem>>)
      %dma_wait3A = arith.constant 0 : i32
      %dma_wait3A_19 = arith.constant 0 : i32
      %dma_wait3A_20 = tpu.memref_slice %arg6[%arg0, %dma_wait3A, %dma_wait3A_19] : memref<2x10240x128xf32, #tpu.memory_space<hbm>> -> memref<1x10240x128xf32, #tpu.memory_space<hbm>>
      %dma_wait3A_21 = tpu.memref_squeeze %dma_wait3A_20 : memref<1x10240x128xf32, #tpu.memory_space<hbm>> -> memref<10240x128xf32, #tpu.memory_space<hbm>>
      %dma_wait3A_22 = arith.constant 0 : i32
      %dma_wait3A_23 = tpu.memref_slice %dma_wait3A_21[%mul3A_11, %dma_wait3A_22] : memref<10240x128xf32, #tpu.memory_space<hbm>> -> memref<640x128xf32, #tpu.memory_space<hbm>>
      %dma_wait3A_24 = arith.constant 0 : i32
      %dma_wait3A_25 = tpu.memref_slice %arg10[%mul3A_9, %dma_wait3A_24] : memref<10240x128xf32, #tpu.memory_space<vmem_shared>> -> memref<640x128xf32, #tpu.memory_space<vmem_shared>>
      tpu.wait_dma2 semaphore(%run_scoped3A : memref<!tpu.dma_semaphore, #tpu.memory_space<semaphore_mem>>) src(%dma_wait3A_25 : memref<640x128xf32, #tpu.memory_space<vmem_shared>>) dst(%dma_wait3A_23 : memref<640x128xf32, #tpu.memory_space<hbm>>)
      tpu.yield
    }) : () -> ()
    return
  }
}

#map = affine_map<(d0, d1) -> (0, 0, 0)>
#map1 = affine_map<(d0, d1) -> (0, 0)>
module attributes {stable_mosaic.version = 14 : i64} {
  func.func @_sc_degree(%arg0: i32, %arg1: i32, %arg2: memref<32x80x128xi32, #tpu.memory_space<hbm>>, %arg3: memref<128x128xf32, #tpu.memory_space<hbm>>, %arg4: memref<640x128xf32, #tpu.memory_space<hbm>>, %arg5: memref<2x10240x128xf32, #tpu.memory_space<hbm>>, %arg6: memref<80x128xi32, #tpu.memory_space<vmem>>, %arg7: memref<128x128xf32, #tpu.memory_space<vmem>>, %arg8: memref<10240x128xf32, #tpu.memory_space<vmem_shared>>) attributes {dimension_semantics = [#tpu.dimension_semantics<core_parallel>, #tpu.dimension_semantics<subcore_parallel>], iteration_bounds = array<i64: 2, 16>, scalar_prefetch = 0 : i64, scratch_operands = 3 : i64, tpu.core_type = #tpu.core_type<sc_vector_subcore>, window_params = [{transform_indices = #map}, {transform_indices = #map1}, {transform_indices = #map1}, {transform_indices = #map}]} {
    %mul3A = arith.constant 16 : i32
    %mul3A_0 = arith.muli %arg0, %mul3A : i32
    %add3A = arith.addi %mul3A_0, %arg1 : i32
    %mul3A_1 = arith.constant 640 : i32
    %mul3A_2 = arith.muli %arg1, %mul3A_1 : i32
    "tpu.region"() ({
      %run_scoped3A = tpu.sem_alloc : memref<!tpu.dma_semaphore, #tpu.memory_space<semaphore_mem>>
      %dma_start3A = arith.constant 0 : i32
      %dma_start3A_12 = tpu.memref_slice %arg8[%mul3A_2, %dma_start3A] : memref<10240x128xf32, #tpu.memory_space<vmem_shared>> -> memref<640x128xf32, #tpu.memory_space<vmem_shared>>
      tpu.enqueue_dma source(%arg4 : memref<640x128xf32, #tpu.memory_space<hbm>>) target(%dma_start3A_12 : memref<640x128xf32, #tpu.memory_space<vmem_shared>>) target_semaphore(%run_scoped3A : memref<!tpu.dma_semaphore, #tpu.memory_space<semaphore_mem>>)
      %dma_wait3A = arith.constant 0 : i32
      %dma_wait3A_13 = tpu.memref_slice %arg8[%mul3A_2, %dma_wait3A] : memref<10240x128xf32, #tpu.memory_space<vmem_shared>> -> memref<640x128xf32, #tpu.memory_space<vmem_shared>>
      tpu.wait_dma2 semaphore(%run_scoped3A : memref<!tpu.dma_semaphore, #tpu.memory_space<semaphore_mem>>) src(%arg4 : memref<640x128xf32, #tpu.memory_space<hbm>>) dst(%dma_wait3A_13 : memref<640x128xf32, #tpu.memory_space<vmem_shared>>)
      tpu.yield
    }) : () -> ()
    "tpu.region"() ({
      %run_scoped3A = tpu.sem_alloc : memref<!tpu.dma_semaphore, #tpu.memory_space<semaphore_mem>>
      %dma_start3A = arith.constant 0 : i32
      %dma_start3A_12 = arith.constant 0 : i32
      %dma_start3A_13 = tpu.memref_slice %arg2[%add3A, %dma_start3A, %dma_start3A_12] : memref<32x80x128xi32, #tpu.memory_space<hbm>> -> memref<1x80x128xi32, #tpu.memory_space<hbm>>
      %dma_start3A_14 = tpu.memref_squeeze %dma_start3A_13 : memref<1x80x128xi32, #tpu.memory_space<hbm>> -> memref<80x128xi32, #tpu.memory_space<hbm>>
      %dma_start3A_15 = arith.constant 0 : i32
      %dma_start3A_16 = arith.constant 0 : i32
      %dma_start3A_17 = tpu.memref_slice %arg2[%add3A, %dma_start3A_15, %dma_start3A_16] : memref<32x80x128xi32, #tpu.memory_space<hbm>> -> memref<1x80x128xi32, #tpu.memory_space<hbm>>
      %dma_start3A_18 = tpu.memref_squeeze %dma_start3A_17 : memref<1x80x128xi32, #tpu.memory_space<hbm>> -> memref<80x128xi32, #tpu.memory_space<hbm>>
      tpu.enqueue_dma source(%dma_start3A_18 : memref<80x128xi32, #tpu.memory_space<hbm>>) target(%arg6 : memref<80x128xi32, #tpu.memory_space<vmem>>) target_semaphore(%run_scoped3A : memref<!tpu.dma_semaphore, #tpu.memory_space<semaphore_mem>>)
      %dma_wait3A = arith.constant 0 : i32
      %dma_wait3A_19 = arith.constant 0 : i32
      %dma_wait3A_20 = tpu.memref_slice %arg2[%add3A, %dma_wait3A, %dma_wait3A_19] : memref<32x80x128xi32, #tpu.memory_space<hbm>> -> memref<1x80x128xi32, #tpu.memory_space<hbm>>
      %dma_wait3A_21 = tpu.memref_squeeze %dma_wait3A_20 : memref<1x80x128xi32, #tpu.memory_space<hbm>> -> memref<80x128xi32, #tpu.memory_space<hbm>>
      %dma_wait3A_22 = arith.constant 0 : i32
      %dma_wait3A_23 = arith.constant 0 : i32
      %dma_wait3A_24 = tpu.memref_slice %arg2[%add3A, %dma_wait3A_22, %dma_wait3A_23] : memref<32x80x128xi32, #tpu.memory_space<hbm>> -> memref<1x80x128xi32, #tpu.memory_space<hbm>>
      %dma_wait3A_25 = tpu.memref_squeeze %dma_wait3A_24 : memref<1x80x128xi32, #tpu.memory_space<hbm>> -> memref<80x128xi32, #tpu.memory_space<hbm>>
      tpu.wait_dma2 semaphore(%run_scoped3A : memref<!tpu.dma_semaphore, #tpu.memory_space<semaphore_mem>>) src(%dma_wait3A_25 : memref<80x128xi32, #tpu.memory_space<hbm>>) dst(%arg6 : memref<80x128xi32, #tpu.memory_space<vmem>>)
      tpu.yield
    }) : () -> ()
    "tpu.region"() ({
      %run_scoped3A = tpu.sem_alloc : memref<!tpu.dma_semaphore, #tpu.memory_space<semaphore_mem>>
      tpu.enqueue_dma source(%arg3 : memref<128x128xf32, #tpu.memory_space<hbm>>) target(%arg7 : memref<128x128xf32, #tpu.memory_space<vmem>>) target_semaphore(%run_scoped3A : memref<!tpu.dma_semaphore, #tpu.memory_space<semaphore_mem>>)
      tpu.wait_dma2 semaphore(%run_scoped3A : memref<!tpu.dma_semaphore, #tpu.memory_space<semaphore_mem>>) src(%arg3 : memref<128x128xf32, #tpu.memory_space<hbm>>) dst(%arg7 : memref<128x128xf32, #tpu.memory_space<vmem>>)
      tpu.yield
    }) : () -> ()
    %barrier3A = arith.constant 0 : index
    tpu.barrier barrier_id(%barrier3A)
    %scan3A = arith.constant 0 : i32
    %scan3A_3 = arith.constant 80 : i32
    %scan3A_4 = arith.addi %scan3A, %scan3A_3 : i32
    %scan3A_5 = arith.constant 1 : i32
    scf.for %scan3A_12 = %scan3A to %scan3A_4 step %scan3A_5  : i32 {
      "tpu.region"() ({
        %run_scoped3A = tpu.sem_alloc : memref<!tpu.dma_semaphore, #tpu.memory_space<semaphore_mem>>
        %dma_start3A = arith.constant 0 : i32
        %dma_start3A_13 = tpu.memref_slice %arg6[%scan3A_12, %dma_start3A] : memref<80x128xi32, #tpu.memory_space<vmem>> -> memref<1x128xi32, #tpu.memory_space<vmem>>
        %dma_start3A_14 = tpu.memref_squeeze %dma_start3A_13 : memref<1x128xi32, #tpu.memory_space<vmem>> -> memref<128xi32, #tpu.memory_space<vmem>>
        %dma_start3A_15 = arith.constant 0 : i32
        %dma_start3A_16 = arith.constant 0 : i32
        %dma_start3A_17 = tpu.memref_slice %arg8[%dma_start3A_15, %dma_start3A_16] : memref<10240x128xf32, #tpu.memory_space<vmem_shared>> -> memref<10240x128xf32, #tpu.memory_space<vmem_shared>>
        tpu.enqueue_indirect_dma source(%arg7 : memref<128x128xf32, #tpu.memory_space<vmem>>) target(%dma_start3A_17 : memref<10240x128xf32, #tpu.memory_space<vmem_shared>>) offsets(%dma_start3A_14 : memref<128xi32, #tpu.memory_space<vmem>>) semaphore(%run_scoped3A : memref<!tpu.dma_semaphore, #tpu.memory_space<semaphore_mem>>) {add = true}
        %dma_wait3A = arith.constant 0 : i32
        %dma_wait3A_18 = tpu.memref_slice %arg6[%scan3A_12, %dma_wait3A] : memref<80x128xi32, #tpu.memory_space<vmem>> -> memref<1x128xi32, #tpu.memory_space<vmem>>
        %dma_wait3A_19 = tpu.memref_squeeze %dma_wait3A_18 : memref<1x128xi32, #tpu.memory_space<vmem>> -> memref<128xi32, #tpu.memory_space<vmem>>
        %dma_wait3A_20 = arith.constant 0 : i32
        %dma_wait3A_21 = arith.constant 0 : i32
        %dma_wait3A_22 = tpu.memref_slice %arg8[%dma_wait3A_20, %dma_wait3A_21] : memref<10240x128xf32, #tpu.memory_space<vmem_shared>> -> memref<10240x128xf32, #tpu.memory_space<vmem_shared>>
        tpu.wait_indirect_dma semaphore(%run_scoped3A : memref<!tpu.dma_semaphore, #tpu.memory_space<semaphore_mem>>) src(%arg7 : memref<128x128xf32, #tpu.memory_space<vmem>>) dst(%dma_wait3A_22 : memref<10240x128xf32, #tpu.memory_space<vmem_shared>>)
        tpu.yield
      }) : () -> ()
    }
    %scan3A_6 = arith.constant 80 : i32
    %barrier3A_7 = arith.constant 0 : index
    tpu.barrier barrier_id(%barrier3A_7)
    %mul3A_8 = arith.constant 640 : i32
    %mul3A_9 = arith.muli %arg1, %mul3A_8 : i32
    %mul3A_10 = arith.constant 640 : i32
    %mul3A_11 = arith.muli %arg1, %mul3A_10 : i32
    "tpu.region"() ({
      %run_scoped3A = tpu.sem_alloc : memref<!tpu.dma_semaphore, #tpu.memory_space<semaphore_mem>>
      %dma_start3A = arith.constant 0 : i32
      %dma_start3A_12 = arith.constant 0 : i32
      %dma_start3A_13 = tpu.memref_slice %arg5[%arg0, %dma_start3A, %dma_start3A_12] : memref<2x10240x128xf32, #tpu.memory_space<hbm>> -> memref<1x10240x128xf32, #tpu.memory_space<hbm>>
      %dma_start3A_14 = tpu.memref_squeeze %dma_start3A_13 : memref<1x10240x128xf32, #tpu.memory_space<hbm>> -> memref<10240x128xf32, #tpu.memory_space<hbm>>
      %dma_start3A_15 = arith.constant 0 : i32
      %dma_start3A_16 = tpu.memref_slice %dma_start3A_14[%mul3A_11, %dma_start3A_15] : memref<10240x128xf32, #tpu.memory_space<hbm>> -> memref<640x128xf32, #tpu.memory_space<hbm>>
      %dma_start3A_17 = arith.constant 0 : i32
      %dma_start3A_18 = tpu.memref_slice %arg8[%mul3A_9, %dma_start3A_17] : memref<10240x128xf32, #tpu.memory_space<vmem_shared>> -> memref<640x128xf32, #tpu.memory_space<vmem_shared>>
      tpu.enqueue_dma source(%dma_start3A_18 : memref<640x128xf32, #tpu.memory_space<vmem_shared>>) target(%dma_start3A_16 : memref<640x128xf32, #tpu.memory_space<hbm>>) target_semaphore(%run_scoped3A : memref<!tpu.dma_semaphore, #tpu.memory_space<semaphore_mem>>)
      %dma_wait3A = arith.constant 0 : i32
      %dma_wait3A_19 = arith.constant 0 : i32
      %dma_wait3A_20 = tpu.memref_slice %arg5[%arg0, %dma_wait3A, %dma_wait3A_19] : memref<2x10240x128xf32, #tpu.memory_space<hbm>> -> memref<1x10240x128xf32, #tpu.memory_space<hbm>>
      %dma_wait3A_21 = tpu.memref_squeeze %dma_wait3A_20 : memref<1x10240x128xf32, #tpu.memory_space<hbm>> -> memref<10240x128xf32, #tpu.memory_space<hbm>>
      %dma_wait3A_22 = arith.constant 0 : i32
      %dma_wait3A_23 = tpu.memref_slice %dma_wait3A_21[%mul3A_11, %dma_wait3A_22] : memref<10240x128xf32, #tpu.memory_space<hbm>> -> memref<640x128xf32, #tpu.memory_space<hbm>>
      %dma_wait3A_24 = arith.constant 0 : i32
      %dma_wait3A_25 = tpu.memref_slice %arg8[%mul3A_9, %dma_wait3A_24] : memref<10240x128xf32, #tpu.memory_space<vmem_shared>> -> memref<640x128xf32, #tpu.memory_space<vmem_shared>>
      tpu.wait_dma2 semaphore(%run_scoped3A : memref<!tpu.dma_semaphore, #tpu.memory_space<semaphore_mem>>) src(%dma_wait3A_25 : memref<640x128xf32, #tpu.memory_space<vmem_shared>>) dst(%dma_wait3A_23 : memref<640x128xf32, #tpu.memory_space<hbm>>)
      tpu.yield
    }) : () -> ()
    return
  }
}

module attributes {stable_mosaic.version = 14 : i64} {
  func.func @_tc_first(%arg0: i32, %arg1: memref<1000x128xf32, #tpu.memory_space<vmem>>, %arg2: memref<128x128xf32, #tpu.memory_space<vmem>>, %arg3: memref<2x1000x128xf32, #tpu.memory_space<vmem>>, %arg4: memref<1000x128xf32, #tpu.memory_space<vmem>>, %arg5: memref<1000x128xf32, #tpu.memory_space<vmem>>) attributes {dimension_semantics = [#tpu.dimension_semantics<arbitrary>], iteration_bounds = array<i64: 10>, scalar_prefetch = 0 : i64, scratch_operands = 0 : i64, tpu.core_type = #tpu.core_type<tc>, window_params = [{transform_indices = @transform_0, window_bounds = array<i64: 1000, 128>}, {pipeline_mode = #tpu.pipeline_mode<synchronous>, transform_indices = @transform_1, window_bounds = array<i64: 128, 128>}, {transform_indices = @transform_2, window_bounds = array<i64: 2, 1000, 128>}, {transform_indices = @transform_3, window_bounds = array<i64: 1000, 128>}, {transform_indices = @transform_4, window_bounds = array<i64: 1000, 128>}]} {
    %get3A = arith.constant 0 : index
    %get3A_0 = arith.constant 0 : index
    %get3A_1 = arith.constant 0 : index
    %get3A_2 = vector.load %arg3[%get3A, %get3A_0, %get3A_1] : memref<2x1000x128xf32, #tpu.memory_space<vmem>>, vector<1x1000x1xf32>
    %get3A_3 = vector.shape_cast %get3A_2 : vector<1x1000x1xf32> to vector<1000xf32>
    %get3A_4 = arith.constant 1 : index
    %get3A_5 = arith.constant 0 : index
    %get3A_6 = arith.constant 0 : index
    %get3A_7 = vector.load %arg3[%get3A_4, %get3A_5, %get3A_6] : memref<2x1000x128xf32, #tpu.memory_space<vmem>>, vector<1x1000x1xf32>
    %get3A_8 = vector.shape_cast %get3A_7 : vector<1x1000x1xf32> to vector<1000xf32>
    %add3A = arith.addf %get3A_3, %get3A_8 : vector<1000xf32>
    %add3A_9 = arith.constant 1.000000e+00 : f32
    %add3A_10 = vector.broadcast %add3A_9 : f32 to vector<1000xf32>
    %add3A_11 = arith.addf %add3A, %add3A_10 : vector<1000xf32>
    %rsqrt3A = math.rsqrt %add3A_11 : vector<1000xf32>
    %broadcast_in_dim3A = vector.shape_cast %rsqrt3A : vector<1000xf32> to vector<1000x1xf32>
    %get3A_12 = arith.constant 0 : index
    %get3A_13 = arith.constant 0 : index
    %get3A_14 = vector.load %arg1[%get3A_12, %get3A_13] : memref<1000x128xf32, #tpu.memory_space<vmem>>, vector<1000x128xf32>
    %get3A_15 = arith.constant 0 : index
    %get3A_16 = arith.constant 0 : index
    %get3A_17 = vector.load %arg2[%get3A_15, %get3A_16] : memref<128x128xf32, #tpu.memory_space<vmem>>, vector<128x128xf32>
    %dot_general3A = arith.constant dense<0.000000e+00> : vector<1000x128xf32>
    %dot_general3A_18 = tpu.matmul %get3A_14, %get3A_17, %dot_general3A {dimension_numbers = #tpu.dot_dimension_numbers<[1], [0], [0], [1], [0, 0, 1, 1], [], []>, transpose_lhs_hint = false} : vector<1000x128xf32>, vector<128x128xf32>, vector<1000x128xf32> -> vector<1000x128xf32>
    %swap3A = arith.constant 0 : index
    %swap3A_19 = arith.constant 0 : index
    %swap3A_20 = vector.load %arg4[%swap3A, %swap3A_19] : memref<1000x128xf32, #tpu.memory_space<vmem>>, vector<1000x128xf32>
    tpu.vector_store %arg4[%swap3A, %swap3A_19], %dot_general3A_18 {strides = array<i32>} : memref<1000x128xf32, #tpu.memory_space<vmem>>, vector<1000x128xf32>,
    %mul3A = vector.broadcast %broadcast_in_dim3A : vector<1000x1xf32> to vector<1000x128xf32>
    %mul3A_21 = arith.mulf %dot_general3A_18, %mul3A : vector<1000x128xf32>
    %swap3A_22 = arith.constant 0 : index
    %swap3A_23 = arith.constant 0 : index
    %swap3A_24 = vector.load %arg5[%swap3A_22, %swap3A_23] : memref<1000x128xf32, #tpu.memory_space<vmem>>, vector<1000x128xf32>
    tpu.vector_store %arg5[%swap3A_22, %swap3A_23], %mul3A_21 {strides = array<i32>} : memref<1000x128xf32, #tpu.memory_space<vmem>>, vector<1000x128xf32>,
    return
  }
  func.func @transform_0(%arg0: i32) -> (i32, i32) {
    %c0_i32 = arith.constant 0 : i32
    %c0_i32_0 = arith.constant 0 : i32
    return %arg0, %c0_i32 : i32, i32
  }
  func.func @transform_1(%arg0: i32) -> (i32, i32) {
    %c0_i32 = arith.constant 0 : i32
    %c0_i32_0 = arith.constant 0 : i32
    %c0_i32_1 = arith.constant 0 : i32
    return %c0_i32, %c0_i32_0 : i32, i32
  }
  func.func @transform_2(%arg0: i32) -> (i32, i32, i32) {
    %c0_i32 = arith.constant 0 : i32
    %c0_i32_0 = arith.constant 0 : i32
    %c0_i32_1 = arith.constant 0 : i32
    return %c0_i32, %arg0, %c0_i32_0 : i32, i32, i32
  }
  func.func @transform_3(%arg0: i32) -> (i32, i32) {
    %c0_i32 = arith.constant 0 : i32
    %c0_i32_0 = arith.constant 0 : i32
    return %arg0, %c0_i32 : i32, i32
  }
  func.func @transform_4(%arg0: i32) -> (i32, i32) {
    %c0_i32 = arith.constant 0 : i32
    %c0_i32_0 = arith.constant 0 : i32
    return %arg0, %c0_i32 : i32, i32
  }
}

module attributes {stable_mosaic.version = 14 : i64} {
  func.func @_tc_mid(%arg0: i32, %arg1: memref<2x1000x128xf32, #tpu.memory_space<vmem>>, %arg2: memref<2x1000x128xf32, #tpu.memory_space<vmem>>, %arg3: memref<1000x128xf32, #tpu.memory_space<vmem>>, %arg4: memref<1x128xf32, #tpu.memory_space<vmem>>, %arg5: memref<128x128xf32, #tpu.memory_space<vmem>>, %arg6: memref<1000x128xf32, #tpu.memory_space<vmem>>, %arg7: memref<1000x128xf32, #tpu.memory_space<vmem>>) attributes {dimension_semantics = [#tpu.dimension_semantics<arbitrary>], iteration_bounds = array<i64: 10>, scalar_prefetch = 0 : i64, scratch_operands = 0 : i64, tpu.core_type = #tpu.core_type<tc>, window_params = [{transform_indices = @transform_0, window_bounds = array<i64: 2, 1000, 128>}, {transform_indices = @transform_1, window_bounds = array<i64: 2, 1000, 128>}, {transform_indices = @transform_2, window_bounds = array<i64: 1000, 128>}, {pipeline_mode = #tpu.pipeline_mode<synchronous>, transform_indices = @transform_3, window_bounds = array<i64: 1, 128>}, {pipeline_mode = #tpu.pipeline_mode<synchronous>, transform_indices = @transform_4, window_bounds = array<i64: 128, 128>}, {transform_indices = @transform_5, window_bounds = array<i64: 1000, 128>}, {transform_indices = @transform_6, window_bounds = array<i64: 1000, 128>}]} {
    %get3A = arith.constant 0 : index
    %get3A_0 = arith.constant 0 : index
    %get3A_1 = arith.constant 0 : index
    %get3A_2 = vector.load %arg2[%get3A, %get3A_0, %get3A_1] : memref<2x1000x128xf32, #tpu.memory_space<vmem>>, vector<1x1000x1xf32>
    %get3A_3 = vector.shape_cast %get3A_2 : vector<1x1000x1xf32> to vector<1000xf32>
    %get3A_4 = arith.constant 1 : index
    %get3A_5 = arith.constant 0 : index
    %get3A_6 = arith.constant 0 : index
    %get3A_7 = vector.load %arg2[%get3A_4, %get3A_5, %get3A_6] : memref<2x1000x128xf32, #tpu.memory_space<vmem>>, vector<1x1000x1xf32>
    %get3A_8 = vector.shape_cast %get3A_7 : vector<1x1000x1xf32> to vector<1000xf32>
    %add3A = arith.addf %get3A_3, %get3A_8 : vector<1000xf32>
    %add3A_9 = arith.constant 1.000000e+00 : f32
    %add3A_10 = vector.broadcast %add3A_9 : f32 to vector<1000xf32>
    %add3A_11 = arith.addf %add3A, %add3A_10 : vector<1000xf32>
    %rsqrt3A = math.rsqrt %add3A_11 : vector<1000xf32>
    %broadcast_in_dim3A = vector.shape_cast %rsqrt3A : vector<1000xf32> to vector<1000x1xf32>
    %get3A_12 = arith.constant 0 : index
    %get3A_13 = arith.constant 0 : index
    %get3A_14 = arith.constant 0 : index
    %get3A_15 = vector.load %arg1[%get3A_12, %get3A_13, %get3A_14] : memref<2x1000x128xf32, #tpu.memory_space<vmem>>, vector<1x1000x128xf32>
    %get3A_16 = vector.shape_cast %get3A_15 : vector<1x1000x128xf32> to vector<1000x128xf32>
    %get3A_17 = arith.constant 1 : index
    %get3A_18 = arith.constant 0 : index
    %get3A_19 = arith.constant 0 : index
    %get3A_20 = vector.load %arg1[%get3A_17, %get3A_18, %get3A_19] : memref<2x1000x128xf32, #tpu.memory_space<vmem>>, vector<1x1000x128xf32>
    %get3A_21 = vector.shape_cast %get3A_20 : vector<1x1000x128xf32> to vector<1000x128xf32>
    %add3A_22 = arith.addf %get3A_16, %get3A_21 : vector<1000x128xf32>
    %mul3A = vector.broadcast %broadcast_in_dim3A : vector<1000x1xf32> to vector<1000x128xf32>
    %mul3A_23 = arith.mulf %add3A_22, %mul3A : vector<1000x128xf32>
    %get3A_24 = arith.constant 0 : index
    %get3A_25 = arith.constant 0 : index
    %get3A_26 = vector.load %arg3[%get3A_24, %get3A_25] : memref<1000x128xf32, #tpu.memory_space<vmem>>, vector<1000x128xf32>
    %mul3A_27 = arith.mulf %broadcast_in_dim3A, %broadcast_in_dim3A : vector<1000x1xf32>
    %mul3A_28 = vector.broadcast %mul3A_27 : vector<1000x1xf32> to vector<1000x128xf32>
    %mul3A_29 = arith.mulf %get3A_26, %mul3A_28 : vector<1000x128xf32>
    %add3A_30 = arith.addf %mul3A_23, %mul3A_29 : vector<1000x128xf32>
    %get3A_31 = arith.constant 0 : index
    %get3A_32 = arith.constant 0 : index
    %get3A_33 = vector.load %arg4[%get3A_31, %get3A_32] : memref<1x128xf32, #tpu.memory_space<vmem>>, vector<1x128xf32>
    %add3A_34 = vector.broadcast %get3A_33 : vector<1x128xf32> to vector<1000x128xf32>
    %add3A_35 = arith.addf %add3A_30, %add3A_34 : vector<1000x128xf32>
    %max3A = arith.constant 0.000000e+00 : f32
    %max3A_36 = vector.broadcast %max3A : f32 to vector<1000x128xf32>
    %max3A_37 = arith.maximumf %add3A_35, %max3A_36 : vector<1000x128xf32>
    %get3A_38 = arith.constant 0 : index
    %get3A_39 = arith.constant 0 : index
    %get3A_40 = vector.load %arg5[%get3A_38, %get3A_39] : memref<128x128xf32, #tpu.memory_space<vmem>>, vector<128x128xf32>
    %dot_general3A = arith.constant dense<0.000000e+00> : vector<1000x128xf32>
    %dot_general3A_41 = tpu.matmul %max3A_37, %get3A_40, %dot_general3A {dimension_numbers = #tpu.dot_dimension_numbers<[1], [0], [0], [1], [0, 0, 1, 1], [], []>, transpose_lhs_hint = false} : vector<1000x128xf32>, vector<128x128xf32>, vector<1000x128xf32> -> vector<1000x128xf32>
    %swap3A = arith.constant 0 : index
    %swap3A_42 = arith.constant 0 : index
    %swap3A_43 = vector.load %arg6[%swap3A, %swap3A_42] : memref<1000x128xf32, #tpu.memory_space<vmem>>, vector<1000x128xf32>
    tpu.vector_store %arg6[%swap3A, %swap3A_42], %dot_general3A_41 {strides = array<i32>} : memref<1000x128xf32, #tpu.memory_space<vmem>>, vector<1000x128xf32>,
    %mul3A_44 = vector.broadcast %broadcast_in_dim3A : vector<1000x1xf32> to vector<1000x128xf32>
    %mul3A_45 = arith.mulf %dot_general3A_41, %mul3A_44 : vector<1000x128xf32>
    %swap3A_46 = arith.constant 0 : index
    %swap3A_47 = arith.constant 0 : index
    %swap3A_48 = vector.load %arg7[%swap3A_46, %swap3A_47] : memref<1000x128xf32, #tpu.memory_space<vmem>>, vector<1000x128xf32>
    tpu.vector_store %arg7[%swap3A_46, %swap3A_47], %mul3A_45 {strides = array<i32>} : memref<1000x128xf32, #tpu.memory_space<vmem>>, vector<1000x128xf32>,
    return
  }
  func.func @transform_0(%arg0: i32) -> (i32, i32, i32) {
    %c0_i32 = arith.constant 0 : i32
    %c0_i32_0 = arith.constant 0 : i32
    %c0_i32_1 = arith.constant 0 : i32
    return %c0_i32, %arg0, %c0_i32_0 : i32, i32, i32
  }
  func.func @transform_1(%arg0: i32) -> (i32, i32, i32) {
    %c0_i32 = arith.constant 0 : i32
    %c0_i32_0 = arith.constant 0 : i32
    %c0_i32_1 = arith.constant 0 : i32
    return %c0_i32, %arg0, %c0_i32_0 : i32, i32, i32
  }
  func.func @transform_2(%arg0: i32) -> (i32, i32) {
    %c0_i32 = arith.constant 0 : i32
    %c0_i32_0 = arith.constant 0 : i32
    return %arg0, %c0_i32 : i32, i32
  }
  func.func @transform_3(%arg0: i32) -> (i32, i32) {
    %c0_i32 = arith.constant 0 : i32
    %c0_i32_0 = arith.constant 0 : i32
    %c0_i32_1 = arith.constant 0 : i32
    return %c0_i32, %c0_i32_0 : i32, i32
  }
  func.func @transform_4(%arg0: i32) -> (i32, i32) {
    %c0_i32 = arith.constant 0 : i32
    %c0_i32_0 = arith.constant 0 : i32
    %c0_i32_1 = arith.constant 0 : i32
    return %c0_i32, %c0_i32_0 : i32, i32
  }
  func.func @transform_5(%arg0: i32) -> (i32, i32) {
    %c0_i32 = arith.constant 0 : i32
    %c0_i32_0 = arith.constant 0 : i32
    return %arg0, %c0_i32 : i32, i32
  }
  func.func @transform_6(%arg0: i32) -> (i32, i32) {
    %c0_i32 = arith.constant 0 : i32
    %c0_i32_0 = arith.constant 0 : i32
    return %arg0, %c0_i32 : i32, i32
  }
}

module attributes {stable_mosaic.version = 14 : i64} {
  func.func @_tc_last(%arg0: i32, %arg1: memref<2x1000x128xf32, #tpu.memory_space<vmem>>, %arg2: memref<2x1000x128xf32, #tpu.memory_space<vmem>>, %arg3: memref<1000x128xf32, #tpu.memory_space<vmem>>, %arg4: memref<1x128xf32, #tpu.memory_space<vmem>>, %arg5: memref<1000x128xf32, #tpu.memory_space<vmem>>) attributes {dimension_semantics = [#tpu.dimension_semantics<arbitrary>], iteration_bounds = array<i64: 10>, scalar_prefetch = 0 : i64, scratch_operands = 0 : i64, tpu.core_type = #tpu.core_type<tc>, window_params = [{transform_indices = @transform_0, window_bounds = array<i64: 2, 1000, 128>}, {transform_indices = @transform_1, window_bounds = array<i64: 2, 1000, 128>}, {transform_indices = @transform_2, window_bounds = array<i64: 1000, 128>}, {pipeline_mode = #tpu.pipeline_mode<synchronous>, transform_indices = @transform_3, window_bounds = array<i64: 1, 128>}, {transform_indices = @transform_4, window_bounds = array<i64: 1000, 128>}]} {
    %get3A = arith.constant 0 : index
    %get3A_0 = arith.constant 0 : index
    %get3A_1 = arith.constant 0 : index
    %get3A_2 = vector.load %arg2[%get3A, %get3A_0, %get3A_1] : memref<2x1000x128xf32, #tpu.memory_space<vmem>>, vector<1x1000x1xf32>
    %get3A_3 = vector.shape_cast %get3A_2 : vector<1x1000x1xf32> to vector<1000xf32>
    %get3A_4 = arith.constant 1 : index
    %get3A_5 = arith.constant 0 : index
    %get3A_6 = arith.constant 0 : index
    %get3A_7 = vector.load %arg2[%get3A_4, %get3A_5, %get3A_6] : memref<2x1000x128xf32, #tpu.memory_space<vmem>>, vector<1x1000x1xf32>
    %get3A_8 = vector.shape_cast %get3A_7 : vector<1x1000x1xf32> to vector<1000xf32>
    %add3A = arith.addf %get3A_3, %get3A_8 : vector<1000xf32>
    %add3A_9 = arith.constant 1.000000e+00 : f32
    %add3A_10 = vector.broadcast %add3A_9 : f32 to vector<1000xf32>
    %add3A_11 = arith.addf %add3A, %add3A_10 : vector<1000xf32>
    %rsqrt3A = math.rsqrt %add3A_11 : vector<1000xf32>
    %broadcast_in_dim3A = vector.shape_cast %rsqrt3A : vector<1000xf32> to vector<1000x1xf32>
    %get3A_12 = arith.constant 0 : index
    %get3A_13 = arith.constant 0 : index
    %get3A_14 = arith.constant 0 : index
    %get3A_15 = vector.load %arg1[%get3A_12, %get3A_13, %get3A_14] : memref<2x1000x128xf32, #tpu.memory_space<vmem>>, vector<1x1000x128xf32>
    %get3A_16 = vector.shape_cast %get3A_15 : vector<1x1000x128xf32> to vector<1000x128xf32>
    %get3A_17 = arith.constant 1 : index
    %get3A_18 = arith.constant 0 : index
    %get3A_19 = arith.constant 0 : index
    %get3A_20 = vector.load %arg1[%get3A_17, %get3A_18, %get3A_19] : memref<2x1000x128xf32, #tpu.memory_space<vmem>>, vector<1x1000x128xf32>
    %get3A_21 = vector.shape_cast %get3A_20 : vector<1x1000x128xf32> to vector<1000x128xf32>
    %add3A_22 = arith.addf %get3A_16, %get3A_21 : vector<1000x128xf32>
    %mul3A = vector.broadcast %broadcast_in_dim3A : vector<1000x1xf32> to vector<1000x128xf32>
    %mul3A_23 = arith.mulf %add3A_22, %mul3A : vector<1000x128xf32>
    %get3A_24 = arith.constant 0 : index
    %get3A_25 = arith.constant 0 : index
    %get3A_26 = vector.load %arg3[%get3A_24, %get3A_25] : memref<1000x128xf32, #tpu.memory_space<vmem>>, vector<1000x128xf32>
    %mul3A_27 = arith.mulf %broadcast_in_dim3A, %broadcast_in_dim3A : vector<1000x1xf32>
    %mul3A_28 = vector.broadcast %mul3A_27 : vector<1000x1xf32> to vector<1000x128xf32>
    %mul3A_29 = arith.mulf %get3A_26, %mul3A_28 : vector<1000x128xf32>
    %add3A_30 = arith.addf %mul3A_23, %mul3A_29 : vector<1000x128xf32>
    %get3A_31 = arith.constant 0 : index
    %get3A_32 = arith.constant 0 : index
    %get3A_33 = vector.load %arg4[%get3A_31, %get3A_32] : memref<1x128xf32, #tpu.memory_space<vmem>>, vector<1x128xf32>
    %add3A_34 = vector.broadcast %get3A_33 : vector<1x128xf32> to vector<1000x128xf32>
    %add3A_35 = arith.addf %add3A_30, %add3A_34 : vector<1000x128xf32>
    %max3A = arith.constant 0.000000e+00 : f32
    %max3A_36 = vector.broadcast %max3A : f32 to vector<1000x128xf32>
    %max3A_37 = arith.maximumf %add3A_35, %max3A_36 : vector<1000x128xf32>
    %swap3A = arith.constant 0 : index
    %swap3A_38 = arith.constant 0 : index
    %swap3A_39 = vector.load %arg5[%swap3A, %swap3A_38] : memref<1000x128xf32, #tpu.memory_space<vmem>>, vector<1000x128xf32>
    tpu.vector_store %arg5[%swap3A, %swap3A_38], %max3A_37 {strides = array<i32>} : memref<1000x128xf32, #tpu.memory_space<vmem>>, vector<1000x128xf32>,
    return
  }
  func.func @transform_0(%arg0: i32) -> (i32, i32, i32) {
    %c0_i32 = arith.constant 0 : i32
    %c0_i32_0 = arith.constant 0 : i32
    %c0_i32_1 = arith.constant 0 : i32
    return %c0_i32, %arg0, %c0_i32_0 : i32, i32, i32
  }
  func.func @transform_1(%arg0: i32) -> (i32, i32, i32) {
    %c0_i32 = arith.constant 0 : i32
    %c0_i32_0 = arith.constant 0 : i32
    %c0_i32_1 = arith.constant 0 : i32
    return %c0_i32, %arg0, %c0_i32_0 : i32, i32, i32
  }
  func.func @transform_2(%arg0: i32) -> (i32, i32) {
    %c0_i32 = arith.constant 0 : i32
    %c0_i32_0 = arith.constant 0 : i32
    return %arg0, %c0_i32 : i32, i32
  }
  func.func @transform_3(%arg0: i32) -> (i32, i32) {
    %c0_i32 = arith.constant 0 : i32
    %c0_i32_0 = arith.constant 0 : i32
    %c0_i32_1 = arith.constant 0 : i32
    return %c0_i32, %c0_i32_0 : i32, i32
  }
  func.func @transform_4(%arg0: i32) -> (i32, i32) {
    %c0_i32 = arith.constant 0 : i32
    %c0_i32_0 = arith.constant 0 : i32
    return %arg0, %c0_i32 : i32, i32
  }
}

module attributes {stable_mosaic.version = 14 : i64} {
  func.func @_tc_fc(%arg0: memref<100x12800xf32, #tpu.memory_space<vmem>>, %arg1: memref<12800x256xf32, #tpu.memory_space<vmem>>, %arg2: memref<1x256xf32, #tpu.memory_space<vmem>>, %arg3: memref<256x64xf32, #tpu.memory_space<vmem>>, %arg4: memref<1x64xf32, #tpu.memory_space<vmem>>, %arg5: memref<100x64xf32, #tpu.memory_space<vmem>>) attributes {dimension_semantics = [], scalar_prefetch = 0 : i64, scratch_operands = 0 : i64, tpu.core_type = #tpu.core_type<tc>} {
    %get3A = arith.constant 0 : index
    %get3A_0 = arith.constant 0 : index
    %get3A_1 = vector.load %arg0[%get3A, %get3A_0] : memref<100x12800xf32, #tpu.memory_space<vmem>>, vector<100x12800xf32>
    %get3A_2 = arith.constant 0 : index
    %get3A_3 = arith.constant 0 : index
    %get3A_4 = vector.load %arg1[%get3A_2, %get3A_3] : memref<12800x256xf32, #tpu.memory_space<vmem>>, vector<12800x256xf32>
    %dot_general3A = arith.constant dense<0.000000e+00> : vector<100x256xf32>
    %dot_general3A_5 = tpu.matmul %get3A_1, %get3A_4, %dot_general3A {dimension_numbers = #tpu.dot_dimension_numbers<[1], [0], [0], [1], [0, 0, 1, 1], [], []>, transpose_lhs_hint = false} : vector<100x12800xf32>, vector<12800x256xf32>, vector<100x256xf32> -> vector<100x256xf32>
    %get3A_6 = arith.constant 0 : index
    %get3A_7 = arith.constant 0 : index
    %get3A_8 = vector.load %arg2[%get3A_6, %get3A_7] : memref<1x256xf32, #tpu.memory_space<vmem>>, vector<1x256xf32>
    %add3A = vector.broadcast %get3A_8 : vector<1x256xf32> to vector<100x256xf32>
    %add3A_9 = arith.addf %dot_general3A_5, %add3A : vector<100x256xf32>
    %max3A = arith.constant 0.000000e+00 : f32
    %max3A_10 = vector.broadcast %max3A : f32 to vector<100x256xf32>
    %max3A_11 = arith.maximumf %add3A_9, %max3A_10 : vector<100x256xf32>
    %get3A_12 = arith.constant 0 : index
    %get3A_13 = arith.constant 0 : index
    %get3A_14 = vector.load %arg3[%get3A_12, %get3A_13] : memref<256x64xf32, #tpu.memory_space<vmem>>, vector<256x64xf32>
    %dot_general3A_15 = arith.constant dense<0.000000e+00> : vector<100x64xf32>
    %dot_general3A_16 = tpu.matmul %max3A_11, %get3A_14, %dot_general3A_15 {dimension_numbers = #tpu.dot_dimension_numbers<[1], [0], [0], [1], [0, 0, 1, 1], [], []>, transpose_lhs_hint = false} : vector<100x256xf32>, vector<256x64xf32>, vector<100x64xf32> -> vector<100x64xf32>
    %get3A_17 = arith.constant 0 : index
    %get3A_18 = arith.constant 0 : index
    %get3A_19 = vector.load %arg4[%get3A_17, %get3A_18] : memref<1x64xf32, #tpu.memory_space<vmem>>, vector<1x64xf32>
    %add3A_20 = vector.broadcast %get3A_19 : vector<1x64xf32> to vector<100x64xf32>
    %add3A_21 = arith.addf %dot_general3A_16, %add3A_20 : vector<100x64xf32>
    %swap3A = arith.constant 0 : index
    %swap3A_22 = arith.constant 0 : index
    %swap3A_23 = vector.load %arg5[%swap3A, %swap3A_22] : memref<100x64xf32, #tpu.memory_space<vmem>>, vector<100x64xf32>
    tpu.vector_store %arg5[%swap3A, %swap3A_22], %add3A_21 {strides = array<i32>} : memref<100x64xf32, #tpu.memory_space<vmem>>, vector<100x64xf32>,
    return
  }
}

</mosaic_0001>

<sc_bundles>
// kernel: kernel.12.cloned.1.call-start
scs
__scs_entry_jumppad:
0x0: {  	(pc) =	sbr.rel $0x88, $3  }
0x1: {  	(tag) =	ssettag $0x0;
	lr =	simm.s32 $0x1  }
0x2: {  	[smem:$0x3F97] =	sst lr;
	_ =	strace $0xD0000000  }
0x3: {  	_ = 	snop  }
0x4: {  	_ = 	snop  }
0x5: {  	_ = 	snop  }
0x6: {  	_ = 	snop  }
0x7: {  	_ = 	snop  }
__scs_overlays_trampoline_lowered:
0x8: {  	[smem:$0x3FA6] =	sst s0  }
0x9: {  	[smem:$0x3FA7] =	sst s1  }
0xa: {  	[smem:$0x3FA8] =	sst s2  }
0xb: {  	[smem:$0x3FA9] =	sst s3  }
0xc: {  	[smem:$0x3FAA] =	sst s4  }
0xd: {  	[smem:$0x3FAB] =	sst s5  }
0xe: {  	[smem:$0x3FAC] =	sst s6  }
0xf: {  	[smem:$0x3FAD] =	sst s7  }
0x10: {  	[smem:$0x3FAE] =	sst s8  }
0x11: {  	[smem:$0x3FAF] =	sst s9;
	s0 =	simm.s32 @!p0 $0x0  }
0x12: {  	s1 =	sld [smem:$0x3F95];
	s0 =	simm.s32 @p0 $0x1  }
0x13: {  	[smem:$0x3FB0] =	sst s0;
	s0 =	simm.s32 @!p1 $0x0  }
0x14: {  	s2 =	sld [smem:$0x3F94];
	s0 =	simm.s32 @p1 $0x1  }
0x15: {  	[smem:$0x3FB1] =	sst s0;
	s0 =	simm.s32 @!p2 $0x0  }
0x16: {  	s3 =	sld [smem:$0x3FDB];
	s0 =	simm.s32 @p2 $0x1  }
0x17: {  	s4 =	simm.s32 $0x1BF5;
	[smem:$0x3FB3] =	sst s0  }
0x18: {  	s0 =	sld [smem:$0x3F96];
	_ =	swait.ge [sflag:s4], $0x0  }
0x19: {  	s7 =	sld [smem:$0x3F97]  }
0x1a: {  	s8 =	sadd.s32 $0xFFFFE003, lr  }
0x1b: {  	s9 =	sadd.s32 $0xFFFFFEF7, lr;
	s5 =	simm.s32 $0xFFFFFFFF;
	p2 =	slt.u32 s8, $0xFFFFF086  }
0x1c: {  	p1 =	slt.u32 s9, $0xF7A;
	s5 =	simm.s32 @!p2 $0x0  }
0x1d: {  	s5 =	simm.s32 @p1 $0x1;
	p0 =	seq.s32 s7, s2  }
0x1e: {  	s7 =	smul.u32 @!p0 $0xF7A, s2;
	p2 =	seq.s32 @!p0 s5, $0x0  }
0x1f: {  	s9 =	smul.u32 $0xF7A, s1;
	s8 =	simm.s32 @!p0 $0x1BF5;
	p2 =	por !p2, p0  }
0x20: {  	[sflag:s8] =	ssyncset.s32 @!p0 $0xFFFFF086;
	s6 =	sadd.s32 @!p0 s3, s7;
	s7 =	simm.s32 @!p0 $0x108  }
0x21: {  	s3 =	sadd.s32 s3, s9;
	s6 =	sadd.s32 @!p0 $0x88, s6;
	s7 =	simm.s32 @p2 $0x1082  }
0x22: {  	[simem:s7], [sflag:s8] =	dma.local @!p0 [hbm:s6], $0xF7A  }
0x23: {  	s9 =	sor.u32 $0xD0000000, s2;
	s6 =	simm.s32 $0x108;
	_ =	swait.ge @!p0 [sflag:s8], $0x0  }
0x24: {  	s3 =	sadd.s32 $0x88, s3;
	s6 =	simm.s32 @!p1 $0x1082;
	[sflag:s4] =	ssyncset.s32 $0xFFFFF086  }
0x25: {  	[simem:s6], [sflag:s4] =	dma.local [hbm:s3], $0xF7A  }
0x26: {  	[smem:$0x3F97] =	sst s1;
	(tag) =	ssettag s2;
	_ =	strace s9  }
0x27: {  	s1 =	sld [smem:$0x3FA7]  }
0x28: {  	s2 =	sld [smem:$0x3FA8]  }
0x29: {  	s4 =	sld [smem:$0x3FAA]  }
0x2a: {  	p0 =	seq.s32 s5, $0x0;
	s5 =	sld [smem:$0x3FAB]  }
0x2b: {  	s6 =	sld [smem:$0x3FAC]  }
0x2c: {  	s7 =	sld [smem:$0x3FAD]  }
0x2d: {  	s3 =	simm.s32 $0x108;
	s8 =	sld [smem:$0x3FAE]  }
0x2e: {  	s3 =	simm.s32 @!p0 $0x1082;
	s9 =	sld [smem:$0x3FAF]  }
0x2f: {  	lr =	sadd.s32 s0, s3;
	s0 =	sld [smem:$0x3FA6]  }
0x30: {  	s3 =	sld [smem:$0x3FA9]  }
0x31: {  	[smem:$0x3FB2] =	sst s10  }
0x32: {  	s10 =	sld [smem:$0x3FB0];
	_ =	sdelay $0x3  }
0x33: {  	p0 =	seq.s32 s10, $0x1;
	s10 =	sld [smem:$0x3FB2];
	_ =	sdelay $0x3  }
0x34: {  	[smem:$0x3FB2] =	sst s10  }
0x35: {  	s10 =	sld [smem:$0x3FB1];
	_ =	sdelay $0x3  }
0x36: {  	p1 =	seq.s32 s10, $0x1;
	s10 =	sld [smem:$0x3FB2];
	_ =	sdelay $0x3  }
0x37: {  	[smem:$0x3FB2] =	sst s10  }
0x38: {  	s10 =	sld [smem:$0x3FB3]  }
0x39: {  	_ = 	snop;
	(pc) =	sbr.ind lr, $3  }
0x3a: {  	_ = 	snop  }
0x3b: {  	_ = 	snop  }
0x3c: {  	p2 =	seq.s32 s10, $0x1;
	s10 =	sld [smem:$0x3FB2]  }
0x3d: {  	_ =	shalt  }
0x3e: {  	_ =	shalt  }
0x3f: {  	_ =	shalt  }
0x40: {  	_ =	shalt  }
0x41: {  	_ =	shalt  }
0x42: {  	_ =	shalt  }
0x43: {  	_ =	shalt  }
0x44: {  	_ =	shalt  }
0x45: {  	_ =	shalt  }
0x46: {  	_ =	shalt  }
0x47: {  	_ =	shalt  }
0x48: {  	_ =	shalt  }
0x49: {  	_ =	shalt  }
0x4a: {  	_ =	shalt  }
0x4b: {  	_ =	shalt  }
0x4c: {  	_ =	shalt  }
0x4d: {  	_ =	shalt  }
0x4e: {  	_ =	shalt  }
0x4f: {  	_ =	shalt  }
0x50: {  	_ =	shalt  }
0x51: {  	_ =	shalt  }
0x52: {  	_ =	shalt  }
0x53: {  	_ =	shalt  }
0x54: {  	_ =	shalt  }
0x55: {  	_ =	shalt  }
0x56: {  	_ =	shalt  }
0x57: {  	_ =	shalt  }
0x58: {  	_ =	shalt  }
0x59: {  	_ =	shalt  }
0x5a: {  	_ =	shalt  }
0x5b: {  	_ =	shalt  }
0x5c: {  	_ =	shalt  }
0x5d: {  	_ =	shalt  }
0x5e: {  	_ =	shalt  }
0x5f: {  	_ =	shalt  }
0x60: {  	_ =	shalt  }
0x61: {  	_ =	shalt  }
0x62: {  	_ =	shalt  }
0x63: {  	_ =	shalt  }
0x64: {  	_ =	shalt  }
0x65: {  	_ =	shalt  }
0x66: {  	_ =	shalt  }
0x67: {  	_ =	shalt  }
0x68: {  	_ =	shalt  }
0x69: {  	_ =	shalt  }
0x6a: {  	_ =	shalt  }
0x6b: {  	_ =	shalt  }
0x6c: {  	_ =	shalt  }
0x6d: {  	_ =	shalt  }
0x6e: {  	_ =	shalt  }
0x6f: {  	_ =	shalt  }
0x70: {  	_ =	shalt  }
0x71: {  	_ =	shalt  }
0x72: {  	_ =	shalt  }
0x73: {  	_ =	shalt  }
0x74: {  	_ =	shalt  }
0x75: {  	_ =	shalt  }
0x76: {  	_ =	shalt  }
0x77: {  	_ =	shalt  }
0x78: {  	_ =	shalt  }
0x79: {  	_ =	shalt  }
0x7a: {  	_ =	shalt  }
0x7b: {  	_ =	shalt  }
0x7c: {  	_ =	shalt  }
0x7d: {  	_ =	shalt  }
0x7e: {  	_ =	shalt  }
0x7f: {  	_ =	shalt  }
0x80: {  	_ =	shalt  }
0x81: {  	_ =	shalt  }
0x82: {  	_ =	shalt  }
0x83: {  	_ =	shalt  }
0x84: {  	_ =	shalt  }
0x85: {  	_ =	shalt  }
0x86: {  	_ =	shalt  }
0x87: {  	_ =	shalt  }
.Lfunc_end0:
.L_simem_size_0:
called_computation.1_lowered:
.L_overlay_start_0:
0x88: {  	s2 =	sld [smem:$0x3FD9]  }
0x89: {  	s3 =	sld [smem:$0x3FFE];
	_ =	sdelay $0x1  }
0x8a: {  	s1 =	srdreg.scid  }
0x8b: {  	s0 =	sand.u32 $0x1, s1  }
0x8c: {  	s16 =	sshll.u32 s0, $0xA;
	s2 =	sadd.s32 s3, s2  }
0x8d: {  	s2 =	sadd.s32 s2, s16  }
0x8e: {  	[smem:$0x3FBE] =	sst s2  }
0x8f: {  	_ = 	snop  }
0x90: {  	(tm) =	ssettm $0x1  }
0x91: {  	s17 =	sld [smem:$0x3FFB];
	_ =	sdelay $0x3  }
0x92: {  	_ =	strace s17  }
0x93: {  	s2 =	sld [smem:$0x3FFC];
	_ =	sdelay $0x3  }
0x94: {  	_ =	strace s2  }
0x95: {  	s2 =	sld [smem:$0x3FFD];
	_ =	sdelay $0x3  }
0x96: {  	_ =	strace s2  }
0x97: {  	_ =	strace $0x8FFFFFFF  }
0x98: {  	s18 =	sld [smem:$0x3FDB];
	_ =	sdelay $0x1  }
0x99: {  	s19 =	simm.s32 $_scs_section_size  }
0x9a: {  	s4 =	simm.s32 $_size__tile_overlayer_lowered;
	s5 =	simm.s32 $_tile_overlayer_lowered  }
0x9b: {  	s22 =	simm.s32 $0x1BFF;
	s21 =	sshll.u32 s5, $0x1;
	s2 =	sadd.s32 s19, s18  }
0x9c: {  	s6 =	simm.s32 $0x0;
	s20 =	sshll.u32 s4, $0x1;
	s4 =	sadd.s32 s21, s2  }
0x9d: {  	[timem:s6], [sflag:s22] =	dma.local [hbm:s4], s20  }
0x9e: {  	_ =	swait.ge [sflag:s22], s20  }
0x9f: {  	s3 =	ssub.s32 $0x0, s20;
	[sflag:s22] =	ssyncset.done $0x0  }
0xa0: {  	[sflag:s22] =	ssyncadd.s32 s3;
	_ =	sdelay $0x1  }
0xa1: {  	s23 =	simm.s32 $0x1B8B  }
0xa2: {  	_ =	swait.ge [sflag:s23], $0x1  }
0xa3: {  	[sflag:s23] =	ssyncset.done $0x0  }
0xa4: {  	s25 =	simm.s32 $0x1B8E;
	s24 =	sld [smem:$0x3FFE];
	[sflag:s23] =	ssyncadd.s32 $0xFFFFFFFF  }
0xa5: {  	s26 =	simm.s32 $execute0_lowered;
	[smem:$0x3FD2] =	sst s25  }
0xa6: {  	s4 =	sshll.u32 s26, $0x1;
	_ =	strace $0x80000049;
	[dreg:$0x1] =	wrdreg $0xFFFFFFFF  }
0xa7: {  	s28 =	simm.s32 $_size_execute0_lowered;
	s2 =	sadd.s32 s2, s4;
	[dreg:$0x0] =	wrdreg $0x0  }
0xa8: {  	s4 =	sshll.u32 s28, $0x1;
	[dreg:$0x2] =	wrdreg s2  }
0xa9: {  	[dreg:$0x3] =	wrdreg s4  }
0xaa: {  	[dreg:$0x4] =	wrdreg $0xC0  }
0xab: {  	_ =	task [dreg:s6], $0x5FFFF  }
0xac: {  	[dreg:$0x1] =	wrdreg $0xFFFFFFFF  }
0xad: {  	[dreg:$0x0] =	wrdreg $0x60  }
0xae: {  	[dreg:$0x2] =	wrdreg s24  }
0xaf: {  	[dreg:$0x3] =	wrdreg $0x90000  }
0xb0: {  	[dreg:$0x4] =	wrdreg $0x9  }
0xb1: {  	_ =	task.clear_ibuf [dreg:s6], $0x5FFFF;
	_ =	strace $0x90000049  }
0xb2: {  	s29 =	simm.s32 $0x9;
	_ =	strace $0x8000004B  }
0xb3: {  	_ =	swait.ge [sflag:s29], $0x1  }
0xb4: {  	[sflag:s29] =	ssyncadd.s32 $0xFFFFFFFF  }
0xb5: {  	_ =	strace $0x9000004B  }
0xb6: {  	_ =	sfence  }
0xb7: {  	s30 =	sld [smem:$0x0];
	_ =	sdelay $0x2  }
0xb8: {  	s31 =	sshll.u32 s1, $0xD;
	s1 =	sshrl.u32 s1, $0x2  }
0xb9: {  	s3 =	sand.u32 $0x4000, s31;
	s1 =	sadd.s32 s1, s30  }
0xba: {  	s0 =	sor.u32 s3, s0;
	s1 =	sshll.u32 s1, $0x11  }
0xbb: {  	s0 =	sor.u32 s1, s0  }
0xbc: {  	s0 =	sadd.s32 $0x8F2B, s0  }
0xbd: {  	[sflag:s0] =	ssyncadd.remote.s32 $0x1  }
0xbe: {  	_ =	sfence.sel $0xFFFF  }
0xbf: {  	[dreg:$0x0] =	wrdreg $0xFFFFFFFF;
	(pc) =	sbr.abs _section_cstart, $3  }
0xc0: {  	[dreg:$0x1] =	wrdreg $0xFFFFFFFF  }
0xc1: {  	_ =	task.clear_ibuf [dreg:s6], $0x2FFFF;
	_ =	strace $0x9FFFFFFF  }
0xc2: {  	(tm) =	ssettm $0x7FFFFFFF  }
0xc3: {  	_ =	shalt  }
tec
execute0_lowered:
.L_overlay_start_1:
0x0: {  	(tag) =	ssettag $0x1  }
0x1: {  	s0 =	srdreg.scid;
	s6 =	rddreg [dreg:$0x0]  }
0x2: {  	s2 =	rddreg [dreg:$0x1];
	s1 =	stileid.u32;
	s3 =	simm.s32 $0x0  }
0x3: {  	s13 =	simm.s32 $0x80;
	s14 =	simm.s32 $0x5000;
	s15 =	simm.s32 $0x1  }
0x4: {  	s5 =	sand.u32 $0x1, s0;
	s0 =	rddreg [dreg:$0x2];
	s10 =	smul.u32 $0x50000, s1  }
0x5: {  	[smem:$0x7FF] =	sst s3;
	s31 =	sshll.u32 s1, $0x6;
	s17 =	smul.u32 $0x2800, s1  }
0x6: {  	s4 =	sshll.u32 s5, $0x4;
	_ =	strace $0x8000004A;
	s8 =	smul.u32 $0x28000, s5  }
0x7: {  	s28 =	ssub.s32 $0x2, s5;
	s5 =	sadd.s32 $0xC600, s6;
	s4 =	sor.u32 s1, s4  }
0x8: {  	s29 =	sshrl.u32 s28, $0x1;
	s30 =	sshrl.u32 s10, $0x2;
	s7 =	smul.u32 $0x500, s4  }
0x9: {  	s4 =	sadd.s32 $0x69600, s6;
	s11 =	sadd.s32 s8, s6;
	s10 =	sadd.s32 s30, s2  }
0xa: {  	s12 =	ssub.s32 s28, s29;
	s16 =	sadd.s32 $0x90800, s11;
	s10 =	sshrl.u32 s10, $0x3  }
0xb: {  	s11 =	simm.s32 $0x2;
	s9 =	sadd.s32 s7, s6;
	s6 =	sor.u32 $0x1C02, s31  }
0xc: {  	s16 =	sadd.s32 s17, s16;
	s17 =	simm.s32 $0x0;
	s7 =	sadd.s32 $0x5F600, s9  }
0xd: {  	s8 =	sadd.s32 $0x2600, s9;
	s9 =	smax.u32 s12, $0x1;
	s12 =	simm.s32 $0x2800  }
.LBB2_1:
0xe: {  	[spmem:s10], [sflag:s6] =	dma.local [hbm:s5], $0x2800  }
0xf: {  	_ =	swait.ge [sflag:s11], $0x2800  }
0x10: {  	[sflag:s11] =	ssyncset.done $0x0  }
0x11: {  	[sflag:s11] =	ssyncadd.s32 $0xFFFFD800  }
0x12: {  	[tilespmem:s3], [sflag:$0x2] =	stream.linear.gather [hbm4b:s7+s3], $0x2800, $0x38;
	[tilespmem:$0x1D000] =	vst v63  }
0x13: {  	_ =	swait.ge [sflag:s11], $0x2800  }
0x14: {  	[sflag:s11] =	ssyncset.done $0x0  }
0x15: {  	[sflag:s11] =	ssyncadd.s32 $0xFFFFD800  }
0x16: {  	[tilespmem:s12], [sflag:$0x2] =	stream.linear.gather [hbm4b:s8+s3], $0x2800, $0x38;
	[tilespmem:$0x1D000] =	vst v63  }
0x17: {  	_ =	swait.ge [sflag:s11], $0x2800  }
0x18: {  	[sflag:s11] =	ssyncset.done $0x0  }
0x19: {  	[sflag:s11] =	ssyncadd.s32 $0xFFFFD800  }
0x1a: {  	s18 =	simm.s32 $0x0;
	[bflag:$0x0] =	sbarrier.arrive $0xFFFF  }
0x1b: {  	[tilespmem:s14], [sflag:$0x1] =	stream.indirect.gather [hbm4b:s4+s13], $0x80, s18, s13, $0xb8;
	[tilespmem:$0x1D000] =	vst v63  }
0x1c: {  	_ =	swait.ge [sflag:s15], $0x4000  }
0x1d: {  	[sflag:s15] =	ssyncset.done $0x0  }
0x1e: {  	s31 =	simm.s32 $0x2800;
	[sflag:s15] =	ssyncadd.s32 $0xFFFFC000  }
0x1f: {  	[spmem:s2] =	stream.indirect.scatter.add.f32 [tilespmem:s14], [sflag:$0x2], $0x80, s31, s13, $0xb8;
	[tilespmem:$0x1D000] =	vst v63  }
0x20: {  	_ =	swait.ge [sflag:s11], $0x4000  }
0x21: {  	s19 =	simm.s32 $0x400;
	s18 =	simm.s32 $0x200;
	[sflag:s11] =	ssyncset.done $0x0  }
.LBB2_2:
0x22: {  	s20 =	sshra.s32 s18, $0x2  }
0x23: {  	[sflag:s11] =	ssyncadd.s32 $0xFFFFC000;
	s18 =	smov.u32 s19;
	s21 =	sadd.s32 $0x200, s19  }
0x24: {  	[tilespmem:s14], [sflag:$0x1] =	stream.indirect.gather [hbm4b:s4+s13], $0x80, s20, s13, $0xb8;
	[tilespmem:$0x1D000] =	vst v63  }
0x25: {  	p0 =	sne.s32 s19, $0x9E00;
	_ =	swait.ge [sflag:s15], $0x4000  }
.Ltmp0:
0x26: {  	[sflag:s15] =	ssyncset.done $0x0;
	(pc) =	sbr.rel @p0 .LBB2_2-.Ltmp0, $4  }
0x27: {  	s19 =	sadd.s32 $0x2800, s20;
	[sflag:s15] =	ssyncadd.s32 $0xFFFFC000  }
0x28: {  	[spmem:s2] =	stream.indirect.scatter.add.f32 [tilespmem:s14], [sflag:$0x2], $0x80, s19, s13, $0xb8;
	[tilespmem:$0x1D000] =	vst v63  }
0x29: {  	_ =	swait.ge [sflag:s11], $0x4000  }
0x2a: {  	s19 =	smov.u32 s21;
	[sflag:s11] =	ssyncset.done $0x0  }
0x2b: {  	s18 =	sshra.s32 s18, $0x2;
	[sflag:s11] =	ssyncadd.s32 $0xFFFFC000  }
0x2c: {  	[tilespmem:s14], [sflag:$0x1] =	stream.indirect.gather [hbm4b:s4+s13], $0x80, s18, s13, $0xb8;
	[tilespmem:$0x1D000] =	vst v63  }
0x2d: {  	_ =	swait.ge [sflag:s15], $0x4000  }
0x2e: {  	[sflag:s15] =	ssyncset.done $0x0  }
0x2f: {  	s18 =	sadd.s32 $0x2800, s18;
	[sflag:s15] =	ssyncadd.s32 $0xFFFFC000  }
0x30: {  	[spmem:s2] =	stream.indirect.scatter.add.f32 [tilespmem:s14], [sflag:$0x2], $0x80, s18, s13, $0xb8;
	[tilespmem:$0x1D000] =	vst v63  }
0x31: {  	_ =	swait.ge [sflag:s11], $0x4000  }
0x32: {  	s17 =	sadd.s32 $0x1, s17;
	[sflag:s11] =	ssyncset.done $0x0  }
0x33: {  	p0 =	sne.s32 s17, s9;
	[sflag:s11] =	ssyncadd.s32 $0xFFFFC000  }
.Ltmp1:
0x34: {  	[bflag:$0x0] =	sbarrier.arrive $0xFFFF;
	(pc) =	sbr.rel @p0 .LBB2_1-.Ltmp1, $4  }
0x35: {  	[hbm:s16], [sflag:s6] =	dma.local [spmem:s10], $0x2800  }
0x36: {  	_ =	swait.ge [sflag:s11], $0x2800  }
0x37: {  	[sflag:s11] =	ssyncset.done $0x0  }
0x38: {  	[sflag:s11] =	ssyncadd.s32 $0xFFFFD800  }
0x39: {  	_ =	sfence.sel $0x180000  }
0x3a: {  	[bflag:$0x0] =	sbarrier.arrive $0xFFFF  }
0x3b: {  	p0 =	sne.s32 s1, $0x0;
	_ =	strace $0x9000004A  }
0x3c: {  	s0 =	sadd.s32 @!p0 $0x100000, s0;
	[bflag:$0x2] =	sbarrier.arrive $0xFFFF  }
0x3d: {  	[sflag:s0] =	ssyncadd.tile.s32 @!p0 $0x1;
	_ =	shalt  }
.Lfunc_end2:
_tile_overlayer_lowered:
.L_overlay_start_2:
0x3e: {  	(tag) =	ssettag $0x2  }
0x3f: {  	s0 =	rddreg [dreg:$0x0];
	s2 =	stileid.u32  }
0x40: {  	s1 =	rddreg [dreg:$0x1];
	p0 =	sne.s32 s2, $0x0  }
0x41: {  	s3 =	rddreg [dreg:$0x2];
	[bflag:$0x3] =	sbarrier.arrive $0xFFFF;
	s2 =	simm.s32 @!p0 $0x1C02  }
0x42: {  	[timem:s3], [sflag:s2] =	dma.local @!p0 [hbm:s0], s1  }
0x43: {  	s0 =	simm.s32 @!p0 $0x2  }
0x44: {  	_ =	swait.ge @!p0 [sflag:s0], s1  }
0x45: {  	s1 =	ssub.s32 @!p0 $0x0, s1;
	[sflag:s0] =	ssyncset.done @!p0 $0x0  }
0x46: {  	[sflag:s0] =	ssyncadd.s32 @!p0 s1  }
0x47: {  	[bflag:$0x3] =	sbarrier.arrive $0xFFFF  }
0x48: {  	_ =	shalt  }

// kernel: kernel.15.cloned.1.call-start
scs
__scs_entry_jumppad:
0x0: {  	(pc) =	sbr.rel $0x88, $3  }
0x1: {  	(tag) =	ssettag $0x0;
	lr =	simm.s32 $0x1  }
0x2: {  	[smem:$0x3F97] =	sst lr;
	_ =	strace $0xD0000000  }
0x3: {  	_ = 	snop  }
0x4: {  	_ = 	snop  }
0x5: {  	_ = 	snop  }
0x6: {  	_ = 	snop  }
0x7: {  	_ = 	snop  }
__scs_overlays_trampoline_lowered:
0x8: {  	[smem:$0x3FA6] =	sst s0  }
0x9: {  	[smem:$0x3FA7] =	sst s1  }
0xa: {  	[smem:$0x3FA8] =	sst s2  }
0xb: {  	[smem:$0x3FA9] =	sst s3  }
0xc: {  	[smem:$0x3FAA] =	sst s4  }
0xd: {  	[smem:$0x3FAB] =	sst s5  }
0xe: {  	[smem:$0x3FAC] =	sst s6  }
0xf: {  	[smem:$0x3FAD] =	sst s7  }
0x10: {  	[smem:$0x3FAE] =	sst s8  }
0x11: {  	[smem:$0x3FAF] =	sst s9;
	s0 =	simm.s32 @!p0 $0x0  }
0x12: {  	s1 =	sld [smem:$0x3F95];
	s0 =	simm.s32 @p0 $0x1  }
0x13: {  	[smem:$0x3FB0] =	sst s0;
	s0 =	simm.s32 @!p1 $0x0  }
0x14: {  	s2 =	sld [smem:$0x3F94];
	s0 =	simm.s32 @p1 $0x1  }
0x15: {  	[smem:$0x3FB1] =	sst s0;
	s0 =	simm.s32 @!p2 $0x0  }
0x16: {  	s3 =	sld [smem:$0x3FDB];
	s0 =	simm.s32 @p2 $0x1  }
0x17: {  	s4 =	simm.s32 $0x1BF5;
	[smem:$0x3FB3] =	sst s0  }
0x18: {  	s0 =	sld [smem:$0x3F96];
	_ =	swait.ge [sflag:s4], $0x0  }
0x19: {  	s7 =	sld [smem:$0x3F97]  }
0x1a: {  	s8 =	sadd.s32 $0xFFFFE003, lr  }
0x1b: {  	s9 =	sadd.s32 $0xFFFFFEF7, lr;
	s5 =	simm.s32 $0xFFFFFFFF;
	p2 =	slt.u32 s8, $0xFFFFF086  }
0x1c: {  	p1 =	slt.u32 s9, $0xF7A;
	s5 =	simm.s32 @!p2 $0x0  }
0x1d: {  	s5 =	simm.s32 @p1 $0x1;
	p0 =	seq.s32 s7, s2  }
0x1e: {  	s7 =	smul.u32 @!p0 $0xF7A, s2;
	p2 =	seq.s32 @!p0 s5, $0x0  }
0x1f: {  	s9 =	smul.u32 $0xF7A, s1;
	s8 =	simm.s32 @!p0 $0x1BF5;
	p2 =	por !p2, p0  }
0x20: {  	[sflag:s8] =	ssyncset.s32 @!p0 $0xFFFFF086;
	s6 =	sadd.s32 @!p0 s3, s7;
	s7 =	simm.s32 @!p0 $0x108  }
0x21: {  	s3 =	sadd.s32 s3, s9;
	s6 =	sadd.s32 @!p0 $0x88, s6;
	s7 =	simm.s32 @p2 $0x1082  }
0x22: {  	[simem:s7], [sflag:s8] =	dma.local @!p0 [hbm:s6], $0xF7A  }
0x23: {  	s9 =	sor.u32 $0xD0000000, s2;
	s6 =	simm.s32 $0x108;
	_ =	swait.ge @!p0 [sflag:s8], $0x0  }
0x24: {  	s3 =	sadd.s32 $0x88, s3;
	s6 =	simm.s32 @!p1 $0x1082;
	[sflag:s4] =	ssyncset.s32 $0xFFFFF086  }
0x25: {  	[simem:s6], [sflag:s4] =	dma.local [hbm:s3], $0xF7A  }
0x26: {  	[smem:$0x3F97] =	sst s1;
	(tag) =	ssettag s2;
	_ =	strace s9  }
0x27: {  	s1 =	sld [smem:$0x3FA7]  }
0x28: {  	s2 =	sld [smem:$0x3FA8]  }
0x29: {  	s4 =	sld [smem:$0x3FAA]  }
0x2a: {  	p0 =	seq.s32 s5, $0x0;
	s5 =	sld [smem:$0x3FAB]  }
0x2b: {  	s6 =	sld [smem:$0x3FAC]  }
0x2c: {  	s7 =	sld [smem:$0x3FAD]  }
0x2d: {  	s3 =	simm.s32 $0x108;
	s8 =	sld [smem:$0x3FAE]  }
0x2e: {  	s3 =	simm.s32 @!p0 $0x1082;
	s9 =	sld [smem:$0x3FAF]  }
0x2f: {  	lr =	sadd.s32 s0, s3;
	s0 =	sld [smem:$0x3FA6]  }
0x30: {  	s3 =	sld [smem:$0x3FA9]  }
0x31: {  	[smem:$0x3FB2] =	sst s10  }
0x32: {  	s10 =	sld [smem:$0x3FB0];
	_ =	sdelay $0x3  }
0x33: {  	p0 =	seq.s32 s10, $0x1;
	s10 =	sld [smem:$0x3FB2];
	_ =	sdelay $0x3  }
0x34: {  	[smem:$0x3FB2] =	sst s10  }
0x35: {  	s10 =	sld [smem:$0x3FB1];
	_ =	sdelay $0x3  }
0x36: {  	p1 =	seq.s32 s10, $0x1;
	s10 =	sld [smem:$0x3FB2];
	_ =	sdelay $0x3  }
0x37: {  	[smem:$0x3FB2] =	sst s10  }
0x38: {  	s10 =	sld [smem:$0x3FB3]  }
0x39: {  	_ = 	snop;
	(pc) =	sbr.ind lr, $3  }
0x3a: {  	_ = 	snop  }
0x3b: {  	_ = 	snop  }
0x3c: {  	p2 =	seq.s32 s10, $0x1;
	s10 =	sld [smem:$0x3FB2]  }
0x3d: {  	_ =	shalt  }
0x3e: {  	_ =	shalt  }
0x3f: {  	_ =	shalt  }
0x40: {  	_ =	shalt  }
0x41: {  	_ =	shalt  }
0x42: {  	_ =	shalt  }
0x43: {  	_ =	shalt  }
0x44: {  	_ =	shalt  }
0x45: {  	_ =	shalt  }
0x46: {  	_ =	shalt  }
0x47: {  	_ =	shalt  }
0x48: {  	_ =	shalt  }
0x49: {  	_ =	shalt  }
0x4a: {  	_ =	shalt  }
0x4b: {  	_ =	shalt  }
0x4c: {  	_ =	shalt  }
0x4d: {  	_ =	shalt  }
0x4e: {  	_ =	shalt  }
0x4f: {  	_ =	shalt  }
0x50: {  	_ =	shalt  }
0x51: {  	_ =	shalt  }
0x52: {  	_ =	shalt  }
0x53: {  	_ =	shalt  }
0x54: {  	_ =	shalt  }
0x55: {  	_ =	shalt  }
0x56: {  	_ =	shalt  }
0x57: {  	_ =	shalt  }
0x58: {  	_ =	shalt  }
0x59: {  	_ =	shalt  }
0x5a: {  	_ =	shalt  }
0x5b: {  	_ =	shalt  }
0x5c: {  	_ =	shalt  }
0x5d: {  	_ =	shalt  }
0x5e: {  	_ =	shalt  }
0x5f: {  	_ =	shalt  }
0x60: {  	_ =	shalt  }
0x61: {  	_ =	shalt  }
0x62: {  	_ =	shalt  }
0x63: {  	_ =	shalt  }
0x64: {  	_ =	shalt  }
0x65: {  	_ =	shalt  }
0x66: {  	_ =	shalt  }
0x67: {  	_ =	shalt  }
0x68: {  	_ =	shalt  }
0x69: {  	_ =	shalt  }
0x6a: {  	_ =	shalt  }
0x6b: {  	_ =	shalt  }
0x6c: {  	_ =	shalt  }
0x6d: {  	_ =	shalt  }
0x6e: {  	_ =	shalt  }
0x6f: {  	_ =	shalt  }
0x70: {  	_ =	shalt  }
0x71: {  	_ =	shalt  }
0x72: {  	_ =	shalt  }
0x73: {  	_ =	shalt  }
0x74: {  	_ =	shalt  }
0x75: {  	_ =	shalt  }
0x76: {  	_ =	shalt  }
0x77: {  	_ =	shalt  }
0x78: {  	_ =	shalt  }
0x79: {  	_ =	shalt  }
0x7a: {  	_ =	shalt  }
0x7b: {  	_ =	shalt  }
0x7c: {  	_ =	shalt  }
0x7d: {  	_ =	shalt  }
0x7e: {  	_ =	shalt  }
0x7f: {  	_ =	shalt  }
0x80: {  	_ =	shalt  }
0x81: {  	_ =	shalt  }
0x82: {  	_ =	shalt  }
0x83: {  	_ =	shalt  }
0x84: {  	_ =	shalt  }
0x85: {  	_ =	shalt  }
0x86: {  	_ =	shalt  }
0x87: {  	_ =	shalt  }
.Lfunc_end0:
.L_simem_size_0:
called_computation.2_lowered:
.L_overlay_start_0:
0x88: {  	s2 =	sld [smem:$0x3FD9]  }
0x89: {  	s3 =	sld [smem:$0x3FFE];
	_ =	sdelay $0x1  }
0x8a: {  	s1 =	srdreg.scid  }
0x8b: {  	s0 =	sand.u32 $0x1, s1  }
0x8c: {  	s16 =	sshll.u32 s0, $0xA;
	s2 =	sadd.s32 s3, s2  }
0x8d: {  	s2 =	sadd.s32 s2, s16  }
0x8e: {  	[smem:$0x3FBE] =	sst s2  }
0x8f: {  	_ = 	snop  }
0x90: {  	(tm) =	ssettm $0x1  }
0x91: {  	s17 =	sld [smem:$0x3FFB];
	_ =	sdelay $0x3  }
0x92: {  	_ =	strace s17  }
0x93: {  	s2 =	sld [smem:$0x3FFC];
	_ =	sdelay $0x3  }
0x94: {  	_ =	strace s2  }
0x95: {  	s2 =	sld [smem:$0x3FFD];
	_ =	sdelay $0x3  }
0x96: {  	_ =	strace s2  }
0x97: {  	_ =	strace $0x8FFFFFFF  }
0x98: {  	s18 =	sld [smem:$0x3FDB];
	_ =	sdelay $0x1  }
0x99: {  	s19 =	simm.s32 $_scs_section_size  }
0x9a: {  	s4 =	simm.s32 $_size__tile_overlayer_lowered;
	s5 =	simm.s32 $_tile_overlayer_lowered  }
0x9b: {  	s22 =	simm.s32 $0x1BFF;
	s21 =	sshll.u32 s5, $0x1;
	s2 =	sadd.s32 s19, s18  }
0x9c: {  	s6 =	simm.s32 $0x0;
	s20 =	sshll.u32 s4, $0x1;
	s4 =	sadd.s32 s21, s2  }
0x9d: {  	[timem:s6], [sflag:s22] =	dma.local [hbm:s4], s20  }
0x9e: {  	_ =	swait.ge [sflag:s22], s20  }
0x9f: {  	s3 =	ssub.s32 $0x0, s20;
	[sflag:s22] =	ssyncset.done $0x0  }
0xa0: {  	[sflag:s22] =	ssyncadd.s32 s3;
	_ =	sdelay $0x1  }
0xa1: {  	s23 =	simm.s32 $0x1B8B  }
0xa2: {  	_ =	swait.ge [sflag:s23], $0x1  }
0xa3: {  	[sflag:s23] =	ssyncset.done $0x0  }
0xa4: {  	s25 =	simm.s32 $0x1B8E;
	s24 =	sld [smem:$0x3FFE];
	[sflag:s23] =	ssyncadd.s32 $0xFFFFFFFF  }
0xa5: {  	s26 =	simm.s32 $execute0_lowered;
	[smem:$0x3FD2] =	sst s25  }
0xa6: {  	s4 =	sshll.u32 s26, $0x1;
	_ =	strace $0x8000004C;
	[dreg:$0x1] =	wrdreg $0xFFFFFFFF  }
0xa7: {  	s28 =	simm.s32 $_size_execute0_lowered;
	s2 =	sadd.s32 s2, s4;
	[dreg:$0x0] =	wrdreg $0x0  }
0xa8: {  	s4 =	sshll.u32 s28, $0x1;
	[dreg:$0x2] =	wrdreg s2  }
0xa9: {  	[dreg:$0x3] =	wrdreg s4  }
0xaa: {  	[dreg:$0x4] =	wrdreg $0xC0  }
0xab: {  	_ =	task [dreg:s6], $0x5FFFF  }
0xac: {  	[dreg:$0x1] =	wrdreg $0xFFFFFFFF  }
0xad: {  	[dreg:$0x0] =	wrdreg $0x60  }
0xae: {  	[dreg:$0x2] =	wrdreg s24  }
0xaf: {  	[dreg:$0x3] =	wrdreg $0x90000  }
0xb0: {  	[dreg:$0x4] =	wrdreg $0x9  }
0xb1: {  	_ =	task.clear_ibuf [dreg:s6], $0x5FFFF;
	_ =	strace $0x9000004C  }
0xb2: {  	s29 =	simm.s32 $0x9;
	_ =	strace $0x8000004E  }
0xb3: {  	_ =	swait.ge [sflag:s29], $0x1  }
0xb4: {  	[sflag:s29] =	ssyncadd.s32 $0xFFFFFFFF  }
0xb5: {  	_ =	strace $0x9000004E  }
0xb6: {  	_ =	sfence  }
0xb7: {  	s30 =	sld [smem:$0x0];
	_ =	sdelay $0x2  }
0xb8: {  	s31 =	sshll.u32 s1, $0xD;
	s1 =	sshrl.u32 s1, $0x2  }
0xb9: {  	s3 =	sand.u32 $0x4000, s31;
	s1 =	sadd.s32 s1, s30  }
0xba: {  	s0 =	sor.u32 s3, s0;
	s1 =	sshll.u32 s1, $0x11  }
0xbb: {  	s0 =	sor.u32 s1, s0  }
0xbc: {  	s0 =	sadd.s32 $0x8F2B, s0  }
0xbd: {  	[sflag:s0] =	ssyncadd.remote.s32 $0x1  }
0xbe: {  	_ =	sfence.sel $0xFFFF  }
0xbf: {  	[dreg:$0x0] =	wrdreg $0xFFFFFFFF;
	(pc) =	sbr.abs _section_cstart, $3  }
0xc0: {  	[dreg:$0x1] =	wrdreg $0xFFFFFFFF  }
0xc1: {  	_ =	task.clear_ibuf [dreg:s6], $0x2FFFF;
	_ =	strace $0x9FFFFFFF  }
0xc2: {  	(tm) =	ssettm $0x7FFFFFFF  }
0xc3: {  	_ =	shalt  }
tec
execute0_lowered:
.L_overlay_start_1:
0x0: {  	(tag) =	ssettag $0x1  }
0x1: {  	s0 =	srdreg.scid;
	s6 =	rddreg [dreg:$0x0]  }
0x2: {  	s2 =	rddreg [dreg:$0x1];
	s1 =	stileid.u32;
	s3 =	simm.s32 $0x0  }
0x3: {  	s13 =	simm.s32 $0x80;
	s14 =	simm.s32 $0x5000;
	s15 =	simm.s32 $0x1  }
0x4: {  	s5 =	sand.u32 $0x1, s0;
	s0 =	rddreg [dreg:$0x2];
	s10 =	smul.u32 $0x50000, s1  }
0x5: {  	[smem:$0x7FF] =	sst s3;
	s31 =	sshll.u32 s1, $0x6;
	s17 =	smul.u32 $0x2800, s1  }
0x6: {  	s4 =	sshll.u32 s5, $0x4;
	_ =	strace $0x8000004D;
	s8 =	smul.u32 $0x28000, s5  }
0x7: {  	s28 =	ssub.s32 $0x2, s5;
	s5 =	sadd.s32 $0xC600, s6;
	s4 =	sor.u32 s1, s4  }
0x8: {  	s29 =	sshrl.u32 s28, $0x1;
	s30 =	sshrl.u32 s10, $0x2;
	s7 =	smul.u32 $0x500, s4  }
0x9: {  	s4 =	sadd.s32 $0x69600, s6;
	s11 =	sadd.s32 s8, s6;
	s10 =	sadd.s32 s30, s2  }
0xa: {  	s12 =	ssub.s32 s28, s29;
	s16 =	sadd.s32 $0x90800, s11;
	s10 =	sshrl.u32 s10, $0x3  }
0xb: {  	s11 =	simm.s32 $0x2;
	s9 =	sadd.s32 s7, s6;
	s6 =	sor.u32 $0x1C02, s31  }
0xc: {  	s16 =	sadd.s32 s17, s16;
	s17 =	simm.s32 $0x0;
	s7 =	sadd.s32 $0x5F600, s9  }
0xd: {  	s8 =	sadd.s32 $0x2600, s9;
	s9 =	smax.u32 s12, $0x1;
	s12 =	simm.s32 $0x2800  }
.LBB2_1:
0xe: {  	[spmem:s10], [sflag:s6] =	dma.local [hbm:s5], $0x2800  }
0xf: {  	_ =	swait.ge [sflag:s11], $0x2800  }
0x10: {  	[sflag:s11] =	ssyncset.done $0x0  }
0x11: {  	[sflag:s11] =	ssyncadd.s32 $0xFFFFD800  }
0x12: {  	[tilespmem:s3], [sflag:$0x2] =	stream.linear.gather [hbm4b:s7+s3], $0x2800, $0x38;
	[tilespmem:$0x1D000] =	vst v63  }
0x13: {  	_ =	swait.ge [sflag:s11], $0x2800  }
0x14: {  	[sflag:s11] =	ssyncset.done $0x0  }
0x15: {  	[sflag:s11] =	ssyncadd.s32 $0xFFFFD800  }
0x16: {  	[tilespmem:s12], [sflag:$0x2] =	stream.linear.gather [hbm4b:s8+s3], $0x2800, $0x38;
	[tilespmem:$0x1D000] =	vst v63  }
0x17: {  	_ =	swait.ge [sflag:s11], $0x2800  }
0x18: {  	[sflag:s11] =	ssyncset.done $0x0  }
0x19: {  	[sflag:s11] =	ssyncadd.s32 $0xFFFFD800  }
0x1a: {  	s18 =	simm.s32 $0x0;
	[bflag:$0x0] =	sbarrier.arrive $0xFFFF  }
0x1b: {  	[tilespmem:s14], [sflag:$0x1] =	stream.indirect.gather [hbm4b:s4+s13], $0x80, s18, s13, $0xb8;
	[tilespmem:$0x1D000] =	vst v63  }
0x1c: {  	_ =	swait.ge [sflag:s15], $0x4000  }
0x1d: {  	[sflag:s15] =	ssyncset.done $0x0  }
0x1e: {  	s31 =	simm.s32 $0x2800;
	[sflag:s15] =	ssyncadd.s32 $0xFFFFC000  }
0x1f: {  	[spmem:s2] =	stream.indirect.scatter.add.f32 [tilespmem:s14], [sflag:$0x2], $0x80, s31, s13, $0xb8;
	[tilespmem:$0x1D000] =	vst v63  }
0x20: {  	_ =	swait.ge [sflag:s11], $0x4000  }
0x21: {  	s19 =	simm.s32 $0x400;
	s18 =	simm.s32 $0x200;
	[sflag:s11] =	ssyncset.done $0x0  }
.LBB2_2:
0x22: {  	s20 =	sshra.s32 s18, $0x2  }
0x23: {  	[sflag:s11] =	ssyncadd.s32 $0xFFFFC000;
	s18 =	smov.u32 s19;
	s21 =	sadd.s32 $0x200, s19  }
0x24: {  	[tilespmem:s14], [sflag:$0x1] =	stream.indirect.gather [hbm4b:s4+s13], $0x80, s20, s13, $0xb8;
	[tilespmem:$0x1D000] =	vst v63  }
0x25: {  	p0 =	sne.s32 s19, $0x9E00;
	_ =	swait.ge [sflag:s15], $0x4000  }
.Ltmp0:
0x26: {  	[sflag:s15] =	ssyncset.done $0x0;
	(pc) =	sbr.rel @p0 .LBB2_2-.Ltmp0, $4  }
0x27: {  	s19 =	sadd.s32 $0x2800, s20;
	[sflag:s15] =	ssyncadd.s32 $0xFFFFC000  }
0x28: {  	[spmem:s2] =	stream.indirect.scatter.add.f32 [tilespmem:s14], [sflag:$0x2], $0x80, s19, s13, $0xb8;
	[tilespmem:$0x1D000] =	vst v63  }
0x29: {  	_ =	swait.ge [sflag:s11], $0x4000  }
0x2a: {  	s19 =	smov.u32 s21;
	[sflag:s11] =	ssyncset.done $0x0  }
0x2b: {  	s18 =	sshra.s32 s18, $0x2;
	[sflag:s11] =	ssyncadd.s32 $0xFFFFC000  }
0x2c: {  	[tilespmem:s14], [sflag:$0x1] =	stream.indirect.gather [hbm4b:s4+s13], $0x80, s18, s13, $0xb8;
	[tilespmem:$0x1D000] =	vst v63  }
0x2d: {  	_ =	swait.ge [sflag:s15], $0x4000  }
0x2e: {  	[sflag:s15] =	ssyncset.done $0x0  }
0x2f: {  	s18 =	sadd.s32 $0x2800, s18;
	[sflag:s15] =	ssyncadd.s32 $0xFFFFC000  }
0x30: {  	[spmem:s2] =	stream.indirect.scatter.add.f32 [tilespmem:s14], [sflag:$0x2], $0x80, s18, s13, $0xb8;
	[tilespmem:$0x1D000] =	vst v63  }
0x31: {  	_ =	swait.ge [sflag:s11], $0x4000  }
0x32: {  	s17 =	sadd.s32 $0x1, s17;
	[sflag:s11] =	ssyncset.done $0x0  }
0x33: {  	p0 =	sne.s32 s17, s9;
	[sflag:s11] =	ssyncadd.s32 $0xFFFFC000  }
.Ltmp1:
0x34: {  	[bflag:$0x0] =	sbarrier.arrive $0xFFFF;
	(pc) =	sbr.rel @p0 .LBB2_1-.Ltmp1, $4  }
0x35: {  	[hbm:s16], [sflag:s6] =	dma.local [spmem:s10], $0x2800  }
0x36: {  	_ =	swait.ge [sflag:s11], $0x2800  }
0x37: {  	[sflag:s11] =	ssyncset.done $0x0  }
0x38: {  	[sflag:s11] =	ssyncadd.s32 $0xFFFFD800  }
0x39: {  	_ =	sfence.sel $0x180000  }
0x3a: {  	[bflag:$0x0] =	sbarrier.arrive $0xFFFF  }
0x3b: {  	p0 =	sne.s32 s1, $0x0;
	_ =	strace $0x9000004D  }
0x3c: {  	s0 =	sadd.s32 @!p0 $0x100000, s0;
	[bflag:$0x2] =	sbarrier.arrive $0xFFFF  }
0x3d: {  	[sflag:s0] =	ssyncadd.tile.s32 @!p0 $0x1;
	_ =	shalt  }
.Lfunc_end2:
_tile_overlayer_lowered:
.L_overlay_start_2:
0x3e: {  	(tag) =	ssettag $0x2  }
0x3f: {  	s0 =	rddreg [dreg:$0x0];
	s2 =	stileid.u32  }
0x40: {  	s1 =	rddreg [dreg:$0x1];
	p0 =	sne.s32 s2, $0x0  }
0x41: {  	s3 =	rddreg [dreg:$0x2];
	[bflag:$0x3] =	sbarrier.arrive $0xFFFF;
	s2 =	simm.s32 @!p0 $0x1C02  }
0x42: {  	[timem:s3], [sflag:s2] =	dma.local @!p0 [hbm:s0], s1  }
0x43: {  	s0 =	simm.s32 @!p0 $0x2  }
0x44: {  	_ =	swait.ge @!p0 [sflag:s0], s1  }
0x45: {  	s1 =	ssub.s32 @!p0 $0x0, s1;
	[sflag:s0] =	ssyncset.done @!p0 $0x0  }
0x46: {  	[sflag:s0] =	ssyncadd.s32 @!p0 s1  }
0x47: {  	[bflag:$0x3] =	sbarrier.arrive $0xFFFF  }
0x48: {  	_ =	shalt  }

// kernel: kernel.9.cloned.1.call-start
scs
__scs_entry_jumppad:
0x0: {  	(pc) =	sbr.rel $0x88, $3  }
0x1: {  	(tag) =	ssettag $0x0;
	lr =	simm.s32 $0x1  }
0x2: {  	[smem:$0x3F97] =	sst lr;
	_ =	strace $0xD0000000  }
0x3: {  	_ = 	snop  }
0x4: {  	_ = 	snop  }
0x5: {  	_ = 	snop  }
0x6: {  	_ = 	snop  }
0x7: {  	_ = 	snop  }
__scs_overlays_trampoline_lowered:
0x8: {  	[smem:$0x3FA6] =	sst s0  }
0x9: {  	[smem:$0x3FA7] =	sst s1  }
0xa: {  	[smem:$0x3FA8] =	sst s2  }
0xb: {  	[smem:$0x3FA9] =	sst s3  }
0xc: {  	[smem:$0x3FAA] =	sst s4  }
0xd: {  	[smem:$0x3FAB] =	sst s5  }
0xe: {  	[smem:$0x3FAC] =	sst s6  }
0xf: {  	[smem:$0x3FAD] =	sst s7  }
0x10: {  	[smem:$0x3FAE] =	sst s8  }
0x11: {  	[smem:$0x3FAF] =	sst s9;
	s0 =	simm.s32 @!p0 $0x0  }
0x12: {  	s1 =	sld [smem:$0x3F95];
	s0 =	simm.s32 @p0 $0x1  }
0x13: {  	[smem:$0x3FB0] =	sst s0;
	s0 =	simm.s32 @!p1 $0x0  }
0x14: {  	s2 =	sld [smem:$0x3F94];
	s0 =	simm.s32 @p1 $0x1  }
0x15: {  	[smem:$0x3FB1] =	sst s0;
	s0 =	simm.s32 @!p2 $0x0  }
0x16: {  	s3 =	sld [smem:$0x3FDB];
	s0 =	simm.s32 @p2 $0x1  }
0x17: {  	s4 =	simm.s32 $0x1BF5;
	[smem:$0x3FB3] =	sst s0  }
0x18: {  	s0 =	sld [smem:$0x3F96];
	_ =	swait.ge [sflag:s4], $0x0  }
0x19: {  	s7 =	sld [smem:$0x3F97]  }
0x1a: {  	s8 =	sadd.s32 $0xFFFFE003, lr  }
0x1b: {  	s9 =	sadd.s32 $0xFFFFFEF7, lr;
	s5 =	simm.s32 $0xFFFFFFFF;
	p2 =	slt.u32 s8, $0xFFFFF086  }
0x1c: {  	p1 =	slt.u32 s9, $0xF7A;
	s5 =	simm.s32 @!p2 $0x0  }
0x1d: {  	s5 =	simm.s32 @p1 $0x1;
	p0 =	seq.s32 s7, s2  }
0x1e: {  	s7 =	smul.u32 @!p0 $0xF7A, s2;
	p2 =	seq.s32 @!p0 s5, $0x0  }
0x1f: {  	s9 =	smul.u32 $0xF7A, s1;
	s8 =	simm.s32 @!p0 $0x1BF5;
	p2 =	por !p2, p0  }
0x20: {  	[sflag:s8] =	ssyncset.s32 @!p0 $0xFFFFF086;
	s6 =	sadd.s32 @!p0 s3, s7;
	s7 =	simm.s32 @!p0 $0x108  }
0x21: {  	s3 =	sadd.s32 s3, s9;
	s6 =	sadd.s32 @!p0 $0x88, s6;
	s7 =	simm.s32 @p2 $0x1082  }
0x22: {  	[simem:s7], [sflag:s8] =	dma.local @!p0 [hbm:s6], $0xF7A  }
0x23: {  	s9 =	sor.u32 $0xD0000000, s2;
	s6 =	simm.s32 $0x108;
	_ =	swait.ge @!p0 [sflag:s8], $0x0  }
0x24: {  	s3 =	sadd.s32 $0x88, s3;
	s6 =	simm.s32 @!p1 $0x1082;
	[sflag:s4] =	ssyncset.s32 $0xFFFFF086  }
0x25: {  	[simem:s6], [sflag:s4] =	dma.local [hbm:s3], $0xF7A  }
0x26: {  	[smem:$0x3F97] =	sst s1;
	(tag) =	ssettag s2;
	_ =	strace s9  }
0x27: {  	s1 =	sld [smem:$0x3FA7]  }
0x28: {  	s2 =	sld [smem:$0x3FA8]  }
0x29: {  	s4 =	sld [smem:$0x3FAA]  }
0x2a: {  	p0 =	seq.s32 s5, $0x0;
	s5 =	sld [smem:$0x3FAB]  }
0x2b: {  	s6 =	sld [smem:$0x3FAC]  }
0x2c: {  	s7 =	sld [smem:$0x3FAD]  }
0x2d: {  	s3 =	simm.s32 $0x108;
	s8 =	sld [smem:$0x3FAE]  }
0x2e: {  	s3 =	simm.s32 @!p0 $0x1082;
	s9 =	sld [smem:$0x3FAF]  }
0x2f: {  	lr =	sadd.s32 s0, s3;
	s0 =	sld [smem:$0x3FA6]  }
0x30: {  	s3 =	sld [smem:$0x3FA9]  }
0x31: {  	[smem:$0x3FB2] =	sst s10  }
0x32: {  	s10 =	sld [smem:$0x3FB0];
	_ =	sdelay $0x3  }
0x33: {  	p0 =	seq.s32 s10, $0x1;
	s10 =	sld [smem:$0x3FB2];
	_ =	sdelay $0x3  }
0x34: {  	[smem:$0x3FB2] =	sst s10  }
0x35: {  	s10 =	sld [smem:$0x3FB1];
	_ =	sdelay $0x3  }
0x36: {  	p1 =	seq.s32 s10, $0x1;
	s10 =	sld [smem:$0x3FB2];
	_ =	sdelay $0x3  }
0x37: {  	[smem:$0x3FB2] =	sst s10  }
0x38: {  	s10 =	sld [smem:$0x3FB3]  }
0x39: {  	_ = 	snop;
	(pc) =	sbr.ind lr, $3  }
0x3a: {  	_ = 	snop  }
0x3b: {  	_ = 	snop  }
0x3c: {  	p2 =	seq.s32 s10, $0x1;
	s10 =	sld [smem:$0x3FB2]  }
0x3d: {  	_ =	shalt  }
0x3e: {  	_ =	shalt  }
0x3f: {  	_ =	shalt  }
0x40: {  	_ =	shalt  }
0x41: {  	_ =	shalt  }
0x42: {  	_ =	shalt  }
0x43: {  	_ =	shalt  }
0x44: {  	_ =	shalt  }
0x45: {  	_ =	shalt  }
0x46: {  	_ =	shalt  }
0x47: {  	_ =	shalt  }
0x48: {  	_ =	shalt  }
0x49: {  	_ =	shalt  }
0x4a: {  	_ =	shalt  }
0x4b: {  	_ =	shalt  }
0x4c: {  	_ =	shalt  }
0x4d: {  	_ =	shalt  }
0x4e: {  	_ =	shalt  }
0x4f: {  	_ =	shalt  }
0x50: {  	_ =	shalt  }
0x51: {  	_ =	shalt  }
0x52: {  	_ =	shalt  }
0x53: {  	_ =	shalt  }
0x54: {  	_ =	shalt  }
0x55: {  	_ =	shalt  }
0x56: {  	_ =	shalt  }
0x57: {  	_ =	shalt  }
0x58: {  	_ =	shalt  }
0x59: {  	_ =	shalt  }
0x5a: {  	_ =	shalt  }
0x5b: {  	_ =	shalt  }
0x5c: {  	_ =	shalt  }
0x5d: {  	_ =	shalt  }
0x5e: {  	_ =	shalt  }
0x5f: {  	_ =	shalt  }
0x60: {  	_ =	shalt  }
0x61: {  	_ =	shalt  }
0x62: {  	_ =	shalt  }
0x63: {  	_ =	shalt  }
0x64: {  	_ =	shalt  }
0x65: {  	_ =	shalt  }
0x66: {  	_ =	shalt  }
0x67: {  	_ =	shalt  }
0x68: {  	_ =	shalt  }
0x69: {  	_ =	shalt  }
0x6a: {  	_ =	shalt  }
0x6b: {  	_ =	shalt  }
0x6c: {  	_ =	shalt  }
0x6d: {  	_ =	shalt  }
0x6e: {  	_ =	shalt  }
0x6f: {  	_ =	shalt  }
0x70: {  	_ =	shalt  }
0x71: {  	_ =	shalt  }
0x72: {  	_ =	shalt  }
0x73: {  	_ =	shalt  }
0x74: {  	_ =	shalt  }
0x75: {  	_ =	shalt  }
0x76: {  	_ =	shalt  }
0x77: {  	_ =	shalt  }
0x78: {  	_ =	shalt  }
0x79: {  	_ =	shalt  }
0x7a: {  	_ =	shalt  }
0x7b: {  	_ =	shalt  }
0x7c: {  	_ =	shalt  }
0x7d: {  	_ =	shalt  }
0x7e: {  	_ =	shalt  }
0x7f: {  	_ =	shalt  }
0x80: {  	_ =	shalt  }
0x81: {  	_ =	shalt  }
0x82: {  	_ =	shalt  }
0x83: {  	_ =	shalt  }
0x84: {  	_ =	shalt  }
0x85: {  	_ =	shalt  }
0x86: {  	_ =	shalt  }
0x87: {  	_ =	shalt  }
.Lfunc_end0:
.L_simem_size_0:
called_computation_lowered:
.L_overlay_start_0:
0x88: {  	s2 =	sld [smem:$0x3FD9]  }
0x89: {  	s3 =	sld [smem:$0x3FFE];
	_ =	sdelay $0x1  }
0x8a: {  	s1 =	srdreg.scid  }
0x8b: {  	s0 =	sand.u32 $0x1, s1  }
0x8c: {  	s16 =	sshll.u32 s0, $0xA;
	s2 =	sadd.s32 s3, s2  }
0x8d: {  	s2 =	sadd.s32 s2, s16  }
0x8e: {  	[smem:$0x3FBE] =	sst s2  }
0x8f: {  	_ = 	snop  }
0x90: {  	(tm) =	ssettm $0x1  }
0x91: {  	s17 =	sld [smem:$0x3FFB];
	_ =	sdelay $0x3  }
0x92: {  	_ =	strace s17  }
0x93: {  	s2 =	sld [smem:$0x3FFC];
	_ =	sdelay $0x3  }
0x94: {  	_ =	strace s2  }
0x95: {  	s2 =	sld [smem:$0x3FFD];
	_ =	sdelay $0x3  }
0x96: {  	_ =	strace s2  }
0x97: {  	_ =	strace $0x8FFFFFFF  }
0x98: {  	s18 =	sld [smem:$0x3FDB];
	_ =	sdelay $0x1  }
0x99: {  	s19 =	simm.s32 $_scs_section_size  }
0x9a: {  	s4 =	simm.s32 $_size__tile_overlayer_lowered;
	s5 =	simm.s32 $_tile_overlayer_lowered  }
0x9b: {  	s22 =	simm.s32 $0x1BFF;
	s21 =	sshll.u32 s5, $0x1;
	s2 =	sadd.s32 s19, s18  }
0x9c: {  	s6 =	simm.s32 $0x0;
	s20 =	sshll.u32 s4, $0x1;
	s4 =	sadd.s32 s21, s2  }
0x9d: {  	[timem:s6], [sflag:s22] =	dma.local [hbm:s4], s20  }
0x9e: {  	_ =	swait.ge [sflag:s22], s20  }
0x9f: {  	s3 =	ssub.s32 $0x0, s20;
	[sflag:s22] =	ssyncset.done $0x0  }
0xa0: {  	[sflag:s22] =	ssyncadd.s32 s3;
	_ =	sdelay $0x1  }
0xa1: {  	s23 =	simm.s32 $0x1B8B  }
0xa2: {  	_ =	swait.ge [sflag:s23], $0x1  }
0xa3: {  	[sflag:s23] =	ssyncset.done $0x0  }
0xa4: {  	s25 =	simm.s32 $0x1B8E;
	s24 =	sld [smem:$0x3FFE];
	[sflag:s23] =	ssyncadd.s32 $0xFFFFFFFF  }
0xa5: {  	s26 =	simm.s32 $execute0_lowered;
	[smem:$0x3FD2] =	sst s25  }
0xa6: {  	s4 =	sshll.u32 s26, $0x1;
	_ =	strace $0x80000046;
	[dreg:$0x1] =	wrdreg $0xFFFFFFFF  }
0xa7: {  	s28 =	simm.s32 $_size_execute0_lowered;
	s2 =	sadd.s32 s2, s4;
	[dreg:$0x0] =	wrdreg $0x0  }
0xa8: {  	s4 =	sshll.u32 s28, $0x1;
	[dreg:$0x2] =	wrdreg s2  }
0xa9: {  	[dreg:$0x3] =	wrdreg s4  }
0xaa: {  	[dreg:$0x4] =	wrdreg $0xC0  }
0xab: {  	_ =	task [dreg:s6], $0x5FFFF  }
0xac: {  	[dreg:$0x1] =	wrdreg $0xFFFFFFFF  }
0xad: {  	[dreg:$0x0] =	wrdreg $0x60  }
0xae: {  	[dreg:$0x2] =	wrdreg s24  }
0xaf: {  	[dreg:$0x3] =	wrdreg $0x68000  }
0xb0: {  	[dreg:$0x4] =	wrdreg $0x9  }
0xb1: {  	_ =	task.clear_ibuf [dreg:s6], $0x5FFFF;
	_ =	strace $0x90000046  }
0xb2: {  	s29 =	simm.s32 $0x9;
	_ =	strace $0x80000048  }
0xb3: {  	_ =	swait.ge [sflag:s29], $0x1  }
0xb4: {  	[sflag:s29] =	ssyncadd.s32 $0xFFFFFFFF  }
0xb5: {  	_ =	strace $0x90000048  }
0xb6: {  	_ =	sfence  }
0xb7: {  	s30 =	sld [smem:$0x0];
	_ =	sdelay $0x2  }
0xb8: {  	s31 =	sshll.u32 s1, $0xD;
	s1 =	sshrl.u32 s1, $0x2  }
0xb9: {  	s3 =	sand.u32 $0x4000, s31;
	s1 =	sadd.s32 s1, s30  }
0xba: {  	s0 =	sor.u32 s3, s0;
	s1 =	sshll.u32 s1, $0x11  }
0xbb: {  	s0 =	sor.u32 s1, s0  }
0xbc: {  	s0 =	sadd.s32 $0x8F2B, s0  }
0xbd: {  	[sflag:s0] =	ssyncadd.remote.s32 $0x1  }
0xbe: {  	_ =	sfence.sel $0xFFFF  }
0xbf: {  	[dreg:$0x0] =	wrdreg $0xFFFFFFFF;
	(pc) =	sbr.abs _section_cstart, $3  }
0xc0: {  	[dreg:$0x1] =	wrdreg $0xFFFFFFFF  }
0xc1: {  	_ =	task.clear_ibuf [dreg:s6], $0x2FFFF;
	_ =	strace $0x9FFFFFFF  }
0xc2: {  	(tm) =	ssettm $0x7FFFFFFF  }
0xc3: {  	_ =	shalt  }
tec
execute0_lowered:
.L_overlay_start_1:
0x0: {  	(tag) =	ssettag $0x1  }
0x1: {  	s0 =	srdreg.scid;
	s6 =	rddreg [dreg:$0x0]  }
0x2: {  	s2 =	rddreg [dreg:$0x1];
	s3 =	simm.s32 $0x0;
	s12 =	simm.s32 $0x80  }
0x3: {  	s5 =	sand.u32 $0x1, s0;
	s0 =	stileid.u32;
	[smem:$0x7FF] =	sst s3  }
0x4: {  	s1 =	sshll.u32 s5, $0x4;
	s8 =	smul.u32 $0x28000, s5;
	s9 =	ssub.s32 $0x2, s5  }
0x5: {  	s10 =	smul.u32 $0x50000, s0;
	s5 =	sadd.s32 $0xC600, s6;
	s31 =	sshll.u32 s0, $0x6  }
0x6: {  	s14 =	smul.u32 $0x2800, s0;
	s4 =	sor.u32 s0, s1;
	s1 =	rddreg [dreg:$0x2]  }
0x7: {  	_ =	strace $0x80000047;
	s29 =	sshrl.u32 s9, $0x1;
	s4 =	smul.u32 $0x500, s4  }
0x8: {  	s8 =	sadd.s32 s8, s6;
	s9 =	ssub.s32 s9, s29;
	s30 =	sshrl.u32 s10, $0x2  }
0x9: {  	s10 =	simm.s32 $0x1;
	s11 =	sadd.s32 s30, s2;
	s13 =	sadd.s32 $0xF600, s8  }
0xa: {  	s8 =	smax.u32 s9, $0x1;
	s7 =	sadd.s32 s4, s6;
	s4 =	sadd.s32 $0xEE00, s6  }
0xb: {  	s6 =	sor.u32 $0x1C01, s31;
	s9 =	sshrl.u32 s11, $0x3;
	s11 =	simm.s32 $0x2800  }
0xc: {  	s13 =	sadd.s32 s14, s13;
	s14 =	simm.s32 $0x0;
	s7 =	sadd.s32 $0x2600, s7  }
.LBB2_1:
0xd: {  	[spmem:s9], [sflag:s6] =	dma.local [hbm:s5], $0x2800  }
0xe: {  	_ =	swait.ge [sflag:s10], $0x2800  }
0xf: {  	[sflag:s10] =	ssyncset.done $0x0  }
0x10: {  	[sflag:s10] =	ssyncadd.s32 $0xFFFFD800  }
0x11: {  	[tilespmem:s3], [sflag:$0x1] =	stream.linear.gather [hbm4b:s7+s3], $0x2800, $0x38;
	[tilespmem:$0x1A800] =	vst v63  }
0x12: {  	_ =	swait.ge [sflag:s10], $0x2800  }
0x13: {  	[sflag:s10] =	ssyncset.done $0x0  }
0x14: {  	[sflag:s10] =	ssyncadd.s32 $0xFFFFD800  }
0x15: {  	[tilespmem:s11], [sflag:$0x1] =	stream.linear.gather [hbm4b:s4+s3], $0x4000, $0x38;
	[tilespmem:$0x1A800] =	vst v63  }
0x16: {  	_ =	swait.ge [sflag:s10], $0x4000  }
0x17: {  	[sflag:s10] =	ssyncset.done $0x0  }
0x18: {  	[sflag:s10] =	ssyncadd.s32 $0xFFFFC000  }
0x19: {  	s15 =	simm.s32 $0x0;
	[bflag:$0x0] =	sbarrier.arrive $0xFFFF  }
0x1a: {  	[spmem:s2] =	stream.indirect.scatter.add.f32 [tilespmem:s11], [sflag:$0x1], $0x80, s15, s12, $0xb8;
	[tilespmem:$0x1A800] =	vst v63  }
0x1b: {  	_ =	swait.ge [sflag:s10], $0x4000  }
0x1c: {  	s15 =	simm.s32 $0x200;
	[sflag:s10] =	ssyncset.done $0x0  }
.LBB2_2:
0x1d: {  	s16 =	sshra.s32 s15, $0x2;
	[sflag:s10] =	ssyncadd.s32 $0xFFFFC000;
	p0 =	sne.s32 s15, $0x9E00  }
0x1e: {  	[spmem:s2] =	stream.indirect.scatter.add.f32 [tilespmem:s11], [sflag:$0x1], $0x80, s16, s12, $0xb8;
	[tilespmem:$0x1A800] =	vst v63  }
.Ltmp0:
0x1f: {  	_ = 	snop;
	(pc) =	sbr.rel @p0 .LBB2_2-.Ltmp0, $4  }
0x20: {  	_ = 	snop  }
0x21: {  	s15 =	sadd.s32 $0x200, s15  }
0x22: {  	_ =	swait.ge [sflag:s10], $0x4000  }
0x23: {  	[sflag:s10] =	ssyncset.done $0x0  }
0x24: {  	s14 =	sadd.s32 $0x1, s14  }
0x25: {  	[sflag:s10] =	ssyncadd.s32 $0xFFFFC000;
	p0 =	sne.s32 s14, s8  }
.Ltmp1:
0x26: {  	[bflag:$0x0] =	sbarrier.arrive $0xFFFF;
	(pc) =	sbr.rel @p0 .LBB2_1-.Ltmp1, $4  }
0x27: {  	[hbm:s13], [sflag:s6] =	dma.local [spmem:s9], $0x2800  }
0x28: {  	_ =	swait.ge [sflag:s10], $0x2800  }
0x29: {  	[sflag:s10] =	ssyncset.done $0x0  }
0x2a: {  	[sflag:s10] =	ssyncadd.s32 $0xFFFFD800  }
0x2b: {  	_ =	sfence.sel $0x180000  }
0x2c: {  	[bflag:$0x0] =	sbarrier.arrive $0xFFFF  }
0x2d: {  	p0 =	sne.s32 s0, $0x0;
	_ =	strace $0x90000047  }
0x2e: {  	s0 =	sadd.s32 @!p0 $0x100000, s1;
	[bflag:$0x2] =	sbarrier.arrive $0xFFFF  }
0x2f: {  	[sflag:s0] =	ssyncadd.tile.s32 @!p0 $0x1;
	_ =	shalt  }
.Lfunc_end2:
_tile_overlayer_lowered:
.L_overlay_start_2:
0x30: {  	(tag) =	ssettag $0x2  }
0x31: {  	s0 =	rddreg [dreg:$0x0];
	s2 =	stileid.u32  }
0x32: {  	s1 =	rddreg [dreg:$0x1];
	p0 =	sne.s32 s2, $0x0  }
0x33: {  	s3 =	rddreg [dreg:$0x2];
	[bflag:$0x3] =	sbarrier.arrive $0xFFFF;
	s2 =	simm.s32 @!p0 $0x1C01  }
0x34: {  	[timem:s3], [sflag:s2] =	dma.local @!p0 [hbm:s0], s1  }
0x35: {  	s0 =	simm.s32 @!p0 $0x1  }
0x36: {  	_ =	swait.ge @!p0 [sflag:s0], s1  }
0x37: {  	s1 =	ssub.s32 @!p0 $0x0, s1;
	[sflag:s0] =	ssyncset.done @!p0 $0x0  }
0x38: {  	[sflag:s0] =	ssyncadd.s32 @!p0 s1  }
0x39: {  	[bflag:$0x3] =	sbarrier.arrive $0xFFFF  }
0x3a: {  	_ =	shalt  }

</sc_bundles>
